<compile_context>
chip_gen: v7x
topology: tpu7x:2x2x1
jax: 0.10.2.dev20260603
libtpu: 0.0.44.dev20260713+nightly
codegen_flags: <defaults>
</compile_context>

<pallas_src>
import functools

import jax
import jax.numpy as jnp
from jax import lax
from jax.experimental import pallas as pl
from jax.experimental.pallas import tpu as pltpu
from jax.experimental.pallas import tpu_sc as plsc

_QT = 512


def _argmin_body(n_keys, pred_ref, realt_ref, iota_ref, out_ref):
    qp = pred_ref[0]
    qx = qp[:, 0:1]
    qy = qp[:, 1:2]
    r = realt_ref[0]
    kx = r[0:1, :]
    ky = r[1:2, :]
    q2 = qx * qx + qy * qy
    r2 = kx * kx + ky * ky
    cross2 = lax.dot_general(
        qp.astype(jnp.bfloat16), (r * 2.0).astype(jnp.bfloat16),
        (((1,), (0,)), ((), ())),
        preferred_element_type=jnp.float32)
    d2 = (q2 + r2) - cross2
    md2 = jnp.min(d2, axis=1)
    md2c = jnp.maximum(md2, 0.0).reshape(1, md2.shape[0])
    m = jnp.sqrt(md2c)
    ub = lax.bitcast_convert_type(md2c, jnp.uint32)
    u = md2c
    for k in (1, 2, 3, 4):
        xk = lax.bitcast_convert_type(ub + jnp.uint32(k), jnp.float32)
        u = jnp.where(jnp.sqrt(xk) == m, xk, u)
    u = u.reshape(md2.shape[0], 1)
    ii = iota_ref[0]
    cand = jnp.where(d2 <= u, ii, jnp.float32(n_keys))
    idx = jnp.min(cand, axis=1)
    b = pl.program_id(0)
    out_ref[0, 0, 0, :] = idx.astype(jnp.int32) + b * n_keys


def _nearest_indices(pred, realt):
    b, n, p = pred.shape
    nq = n // _QT
    iota = jnp.arange(n, dtype=jnp.float32).reshape(1, n)
    out = pl.pallas_call(
        functools.partial(_argmin_body, n),
        grid=(b, nq),
        in_specs=[
            pl.BlockSpec((1, _QT, p), lambda bi, qi: (bi, qi, 0)),
            pl.BlockSpec((1, p, n), lambda bi, qi: (bi, 0, 0)),
            pl.BlockSpec((1, n), lambda bi, qi: (0, 0)),
        ],
        out_specs=pl.BlockSpec((1, 1, 1, _QT), lambda bi, qi: (bi, qi, 0, 0)),
        out_shape=jax.ShapeDtypeStruct((b, nq, 1, _QT), jnp.int32),
        compiler_params=pltpu.CompilerParams(
            dimension_semantics=("parallel", "parallel")),
    )(pred, realt, iota)
    return out.reshape(b * n)


def _make_sc_gather(bn, g):
    info = plsc.get_sparse_core_info()
    nc, ns = info.num_cores, info.num_subcores
    nw = nc * ns
    rpw = bn // nw
    ch = 64
    nch = rpw // ch

    mesh = plsc.VectorSubcoreMesh(core_axis_name="c", subcore_axis_name="s")

    @functools.partial(
        pl.kernel,
        mesh=mesh,
        out_type=jax.ShapeDtypeStruct((bn, g), jnp.float32),
        scratch_types=[
            pltpu.VMEM((nch, ch), jnp.int32),
            pltpu.VMEM((ch, g), jnp.float32),
            pltpu.VMEM((ch, g), jnp.float32),
            pltpu.VMEM((ch, g), jnp.float32),
            pltpu.SemaphoreType.DMA,
            pltpu.SemaphoreType.DMA,
            pltpu.SemaphoreType.DMA,
            pltpu.SemaphoreType.DMA,
            pltpu.SemaphoreType.DMA,
            pltpu.SemaphoreType.DMA,
        ],
    )
    def gather(table_hbm, idx_hbm, out_hbm, idx_v, buf0, buf1, buf2,
               gs0, gs1, gs2, os0, os1, os2):
        wid = lax.axis_index("s") * nc + lax.axis_index("c")
        base = wid * rpw
        pltpu.sync_copy(idx_hbm.at[wid], idx_v)
        bufs = (buf0, buf1, buf2)
        gsems = (gs0, gs1, gs2)
        osems = (os0, os1, os2)
        gh = {}
        oh = {}
        for c in (0, 1):
            gh[c] = pltpu.async_copy(
                table_hbm.at[idx_v.at[c]], bufs[c], gsems[c])
        for c in range(nch):
            nx = c + 2
            if nx < nch:
                if nx - 3 >= 0:
                    oh.pop(nx % 3).wait()
                gh[nx % 3] = pltpu.async_copy(
                    table_hbm.at[idx_v.at[nx]], bufs[nx % 3], gsems[nx % 3])
            gh.pop(c % 3).wait()
            oh[c % 3] = pltpu.async_copy(
                bufs[c % 3], out_hbm.at[pl.ds(base + c * ch, ch)],
                osems[c % 3])
        for h in oh.values():
            h.wait()

    def run(table, idx_flat):
        idx3 = idx_flat.reshape(nw, nch, ch)
        return gather(table, idx3)

    return run


def kernel(predicted_positions, real_positions, real_expressions):
    b, n, p = predicted_positions.shape
    g = real_expressions.shape[-1]
    realt = jnp.swapaxes(real_positions, 1, 2)
    idx_flat = _nearest_indices(predicted_positions, realt)
    table = real_expressions.reshape(b * n, g)
    out = _make_sc_gather(b * n, g)(table, idx_flat)
    return out.reshape(b, n, g)

# --- scband reference (transcript-rebuilt; emitter-appended) ---
"""Pipeline reference for scband-gaussian-vae-42752104464514 (READ-ONLY COPY).

The authoritative reference and input builder live on the scoring server;
editing this copy changes nothing except your own understanding.
"""

import jax, jax.numpy as jnp
import numpy as np


def setup_inputs(seed: int = 0) -> dict:
    key = jax.random.key(seed)
    k1, k2, k3 = jax.random.split(key, 3)
    B, N, P, G = 4, 4096, 2, 512
    return {
        "predicted_positions": jax.random.normal(k1, (B, N, P), dtype=jnp.float32),
        "real_positions": jax.random.normal(k2, (B, N, P), dtype=jnp.float32),
        "real_expressions": jax.random.normal(k3, (B, N, G), dtype=jnp.float32),
    }


def reference(predicted_positions, real_positions, real_expressions):
    # torch.cdist(predicted_positions, real_positions): (B, N, N) euclidean distances
    p2 = jnp.sum(predicted_positions ** 2, axis=-1, keepdims=True)          # (B, N, 1)
    r2 = jnp.sum(real_positions ** 2, axis=-1, keepdims=True)               # (B, M, 1)
    cross = jnp.einsum('bnd,bmd->bnm', predicted_positions, real_positions)  # (B, N, M)
    d2 = p2 + jnp.swapaxes(r2, 1, 2) - 2.0 * cross
    distances = jnp.sqrt(jnp.maximum(d2, 0.0))
    # nearest_indices = distances.argmin(dim=-1)
    nearest_indices = jnp.argmin(distances, axis=-1)                         # (B, N) int
    # torch.gather(real_expressions, dim=1, index=nearest.unsqueeze(-1).expand(-1,-1,G))
    idx = jnp.broadcast_to(nearest_indices[..., None], real_expressions.shape)
    nearest_expressions = jnp.take_along_axis(real_expressions, idx, axis=1)
    return nearest_expressions

if __name__ == "__main__":
    import jax
    _d = setup_inputs()
    print(jax.jit(kernel)(*tuple(_d.values())))

</pallas_src>

<mosaic_0001>
#map = affine_map<(d0, d1) -> (0, 0)>
#map1 = affine_map<(d0, d1) -> (0, 0, 0)>
module attributes {stable_mosaic.version = 14 : i64} {
  func.func @gather(%arg0: i32, %arg1: i32, %arg2: memref<16384x512xf32, #tpu.memory_space<hbm>>, %arg3: memref<32x8x64xi32, #tpu.memory_space<hbm>>, %arg4: memref<16384x512xf32, #tpu.memory_space<hbm>>, %arg5: memref<8x64xi32, #tpu.memory_space<vmem>>, %arg6: memref<64x512xf32, #tpu.memory_space<vmem>>, %arg7: memref<64x512xf32, #tpu.memory_space<vmem>>, %arg8: memref<64x512xf32, #tpu.memory_space<vmem>>, %arg9: memref<!tpu.dma_semaphore, #tpu.memory_space<semaphore_mem>>, %arg10: memref<!tpu.dma_semaphore, #tpu.memory_space<semaphore_mem>>, %arg11: memref<!tpu.dma_semaphore, #tpu.memory_space<semaphore_mem>>, %arg12: memref<!tpu.dma_semaphore, #tpu.memory_space<semaphore_mem>>, %arg13: memref<!tpu.dma_semaphore, #tpu.memory_space<semaphore_mem>>, %arg14: memref<!tpu.dma_semaphore, #tpu.memory_space<semaphore_mem>>) attributes {dimension_semantics = [#tpu.dimension_semantics<core_parallel>, #tpu.dimension_semantics<subcore_parallel>], iteration_bounds = array<i64: 2, 16>, scalar_prefetch = 0 : i64, scratch_operands = 10 : i64, tpu.core_type = #tpu.core_type<sc_vector_subcore>, window_params = [{transform_indices = #map}, {transform_indices = #map1}, {transform_indices = #map}]} {
    %mul3A = arith.constant 2 : i32
    %mul3A_0 = arith.muli %arg1, %mul3A : i32
    %add3A = arith.addi %mul3A_0, %arg0 : i32
    %mul3A_1 = arith.constant 512 : i32
    %mul3A_2 = arith.muli %add3A, %mul3A_1 : i32
    "tpu.region"() ({
      %run_scoped3A = tpu.sem_alloc : memref<!tpu.dma_semaphore, #tpu.memory_space<semaphore_mem>>
      %dma_start3A_193 = arith.constant 0 : i32
      %dma_start3A_194 = arith.constant 0 : i32
      %dma_start3A_195 = tpu.memref_slice %arg3[%add3A, %dma_start3A_193, %dma_start3A_194] : memref<32x8x64xi32, #tpu.memory_space<hbm>> -> memref<1x8x64xi32, #tpu.memory_space<hbm>>
      %dma_start3A_196 = tpu.memref_squeeze %dma_start3A_195 : memref<1x8x64xi32, #tpu.memory_space<hbm>> -> memref<8x64xi32, #tpu.memory_space<hbm>>
      %dma_start3A_197 = arith.constant 0 : i32
      %dma_start3A_198 = arith.constant 0 : i32
      %dma_start3A_199 = tpu.memref_slice %arg3[%add3A, %dma_start3A_197, %dma_start3A_198] : memref<32x8x64xi32, #tpu.memory_space<hbm>> -> memref<1x8x64xi32, #tpu.memory_space<hbm>>
      %dma_start3A_200 = tpu.memref_squeeze %dma_start3A_199 : memref<1x8x64xi32, #tpu.memory_space<hbm>> -> memref<8x64xi32, #tpu.memory_space<hbm>>
      tpu.enqueue_dma source(%dma_start3A_200 : memref<8x64xi32, #tpu.memory_space<hbm>>) target(%arg5 : memref<8x64xi32, #tpu.memory_space<vmem>>) target_semaphore(%run_scoped3A : memref<!tpu.dma_semaphore, #tpu.memory_space<semaphore_mem>>)
      %dma_wait3A_201 = arith.constant 0 : i32
      %dma_wait3A_202 = arith.constant 0 : i32
      %dma_wait3A_203 = tpu.memref_slice %arg3[%add3A, %dma_wait3A_201, %dma_wait3A_202] : memref<32x8x64xi32, #tpu.memory_space<hbm>> -> memref<1x8x64xi32, #tpu.memory_space<hbm>>
      %dma_wait3A_204 = tpu.memref_squeeze %dma_wait3A_203 : memref<1x8x64xi32, #tpu.memory_space<hbm>> -> memref<8x64xi32, #tpu.memory_space<hbm>>
      %dma_wait3A_205 = arith.constant 0 : i32
      %dma_wait3A_206 = arith.constant 0 : i32
      %dma_wait3A_207 = tpu.memref_slice %arg3[%add3A, %dma_wait3A_205, %dma_wait3A_206] : memref<32x8x64xi32, #tpu.memory_space<hbm>> -> memref<1x8x64xi32, #tpu.memory_space<hbm>>
      %dma_wait3A_208 = tpu.memref_squeeze %dma_wait3A_207 : memref<1x8x64xi32, #tpu.memory_space<hbm>> -> memref<8x64xi32, #tpu.memory_space<hbm>>
      tpu.wait_dma2 semaphore(%run_scoped3A : memref<!tpu.dma_semaphore, #tpu.memory_space<semaphore_mem>>) src(%dma_wait3A_208 : memref<8x64xi32, #tpu.memory_space<hbm>>) dst(%arg5 : memref<8x64xi32, #tpu.memory_space<vmem>>)
      tpu.yield
    }) : () -> ()
    %dma_start3A = arith.constant 0 : i32
    %dma_start3A_3 = arith.constant 0 : i32
    %dma_start3A_4 = tpu.memref_slice %arg5[%dma_start3A, %dma_start3A_3] : memref<8x64xi32, #tpu.memory_space<vmem>> -> memref<1x64xi32, #tpu.memory_space<vmem>>
    %dma_start3A_5 = tpu.memref_squeeze %dma_start3A_4 : memref<1x64xi32, #tpu.memory_space<vmem>> -> memref<64xi32, #tpu.memory_space<vmem>>
    %dma_start3A_6 = arith.constant 0 : i32
    %dma_start3A_7 = arith.constant 0 : i32
    %dma_start3A_8 = tpu.memref_slice %arg2[%dma_start3A_6, %dma_start3A_7] : memref<16384x512xf32, #tpu.memory_space<hbm>> -> memref<16384x512xf32, #tpu.memory_space<hbm>>
    tpu.enqueue_indirect_dma source(%dma_start3A_8 : memref<16384x512xf32, #tpu.memory_space<hbm>>) target(%arg6 : memref<64x512xf32, #tpu.memory_space<vmem>>) offsets(%dma_start3A_5 : memref<64xi32, #tpu.memory_space<vmem>>) semaphore(%arg9 : memref<!tpu.dma_semaphore, #tpu.memory_space<semaphore_mem>>)
    %dma_start3A_9 = arith.constant 1 : i32
    %dma_start3A_10 = arith.constant 0 : i32
    %dma_start3A_11 = tpu.memref_slice %arg5[%dma_start3A_9, %dma_start3A_10] : memref<8x64xi32, #tpu.memory_space<vmem>> -> memref<1x64xi32, #tpu.memory_space<vmem>>
    %dma_start3A_12 = tpu.memref_squeeze %dma_start3A_11 : memref<1x64xi32, #tpu.memory_space<vmem>> -> memref<64xi32, #tpu.memory_space<vmem>>
    %dma_start3A_13 = arith.constant 0 : i32
    %dma_start3A_14 = arith.constant 0 : i32
    %dma_start3A_15 = tpu.memref_slice %arg2[%dma_start3A_13, %dma_start3A_14] : memref<16384x512xf32, #tpu.memory_space<hbm>> -> memref<16384x512xf32, #tpu.memory_space<hbm>>
    tpu.enqueue_indirect_dma source(%dma_start3A_15 : memref<16384x512xf32, #tpu.memory_space<hbm>>) target(%arg7 : memref<64x512xf32, #tpu.memory_space<vmem>>) offsets(%dma_start3A_12 : memref<64xi32, #tpu.memory_space<vmem>>) semaphore(%arg10 : memref<!tpu.dma_semaphore, #tpu.memory_space<semaphore_mem>>)
    %dma_start3A_16 = arith.constant 2 : i32
    %dma_start3A_17 = arith.constant 0 : i32
    %dma_start3A_18 = tpu.memref_slice %arg5[%dma_start3A_16, %dma_start3A_17] : memref<8x64xi32, #tpu.memory_space<vmem>> -> memref<1x64xi32, #tpu.memory_space<vmem>>
    %dma_start3A_19 = tpu.memref_squeeze %dma_start3A_18 : memref<1x64xi32, #tpu.memory_space<vmem>> -> memref<64xi32, #tpu.memory_space<vmem>>
    %dma_start3A_20 = arith.constant 0 : i32
    %dma_start3A_21 = arith.constant 0 : i32
    %dma_start3A_22 = tpu.memref_slice %arg2[%dma_start3A_20, %dma_start3A_21] : memref<16384x512xf32, #tpu.memory_space<hbm>> -> memref<16384x512xf32, #tpu.memory_space<hbm>>
    tpu.enqueue_indirect_dma source(%dma_start3A_22 : memref<16384x512xf32, #tpu.memory_space<hbm>>) target(%arg8 : memref<64x512xf32, #tpu.memory_space<vmem>>) offsets(%dma_start3A_19 : memref<64xi32, #tpu.memory_space<vmem>>) semaphore(%arg11 : memref<!tpu.dma_semaphore, #tpu.memory_space<semaphore_mem>>)
    %dma_wait3A = arith.constant 0 : i32
    %dma_wait3A_23 = arith.constant 0 : i32
    %dma_wait3A_24 = tpu.memref_slice %arg5[%dma_wait3A, %dma_wait3A_23] : memref<8x64xi32, #tpu.memory_space<vmem>> -> memref<1x64xi32, #tpu.memory_space<vmem>>
    %dma_wait3A_25 = tpu.memref_squeeze %dma_wait3A_24 : memref<1x64xi32, #tpu.memory_space<vmem>> -> memref<64xi32, #tpu.memory_space<vmem>>
    %dma_wait3A_26 = arith.constant 0 : i32
    %dma_wait3A_27 = arith.constant 0 : i32
    %dma_wait3A_28 = tpu.memref_slice %arg2[%dma_wait3A_26, %dma_wait3A_27] : memref<16384x512xf32, #tpu.memory_space<hbm>> -> memref<16384x512xf32, #tpu.memory_space<hbm>>
    tpu.wait_indirect_dma semaphore(%arg9 : memref<!tpu.dma_semaphore, #tpu.memory_space<semaphore_mem>>) src(%dma_wait3A_28 : memref<16384x512xf32, #tpu.memory_space<hbm>>) dst(%arg6 : memref<64x512xf32, #tpu.memory_space<vmem>>)
    %add3A_29 = arith.constant 0 : i32
    %add3A_30 = arith.addi %mul3A_2, %add3A_29 : i32
    %dma_start3A_31 = arith.constant 0 : i32
    %dma_start3A_32 = tpu.memref_slice %arg4[%add3A_30, %dma_start3A_31] : memref<16384x512xf32, #tpu.memory_space<hbm>> -> memref<64x512xf32, #tpu.memory_space<hbm>>
    %dma_start3A_33 = arith.constant 0 : i32
    %dma_start3A_34 = tpu.memref_slice %arg4[%add3A_30, %dma_start3A_33] : memref<16384x512xf32, #tpu.memory_space<hbm>> -> memref<64x512xf32, #tpu.memory_space<hbm>>
    tpu.enqueue_dma source(%arg6 : memref<64x512xf32, #tpu.memory_space<vmem>>) target(%dma_start3A_34 : memref<64x512xf32, #tpu.memory_space<hbm>>) target_semaphore(%arg12 : memref<!tpu.dma_semaphore, #tpu.memory_space<semaphore_mem>>)
    %dma_wait3A_35 = arith.constant 0 : i32
    %dma_wait3A_36 = tpu.memref_slice %arg4[%add3A_30, %dma_wait3A_35] : memref<16384x512xf32, #tpu.memory_space<hbm>> -> memref<64x512xf32, #tpu.memory_space<hbm>>
    %dma_wait3A_37 = arith.constant 0 : i32
    %dma_wait3A_38 = tpu.memref_slice %arg4[%add3A_30, %dma_wait3A_37] : memref<16384x512xf32, #tpu.memory_space<hbm>> -> memref<64x512xf32, #tpu.memory_space<hbm>>
    tpu.wait_dma2 semaphore(%arg12 : memref<!tpu.dma_semaphore, #tpu.memory_space<semaphore_mem>>) src(%arg6 : memref<64x512xf32, #tpu.memory_space<vmem>>) dst(%dma_wait3A_38 : memref<64x512xf32, #tpu.memory_space<hbm>>)
    %dma_start3A_39 = arith.constant 3 : i32
    %dma_start3A_40 = arith.constant 0 : i32
    %dma_start3A_41 = tpu.memref_slice %arg5[%dma_start3A_39, %dma_start3A_40] : memref<8x64xi32, #tpu.memory_space<vmem>> -> memref<1x64xi32, #tpu.memory_space<vmem>>
    %dma_start3A_42 = tpu.memref_squeeze %dma_start3A_41 : memref<1x64xi32, #tpu.memory_space<vmem>> -> memref<64xi32, #tpu.memory_space<vmem>>
    %dma_start3A_43 = arith.constant 0 : i32
    %dma_start3A_44 = arith.constant 0 : i32
    %dma_start3A_45 = tpu.memref_slice %arg2[%dma_start3A_43, %dma_start3A_44] : memref<16384x512xf32, #tpu.memory_space<hbm>> -> memref<16384x512xf32, #tpu.memory_space<hbm>>
    tpu.enqueue_indirect_dma source(%dma_start3A_45 : memref<16384x512xf32, #tpu.memory_space<hbm>>) target(%arg6 : memref<64x512xf32, #tpu.memory_space<vmem>>) offsets(%dma_start3A_42 : memref<64xi32, #tpu.memory_space<vmem>>) semaphore(%arg9 : memref<!tpu.dma_semaphore, #tpu.memory_space<semaphore_mem>>)
    %dma_wait3A_46 = arith.constant 1 : i32
    %dma_wait3A_47 = arith.constant 0 : i32
    %dma_wait3A_48 = tpu.memref_slice %arg5[%dma_wait3A_46, %dma_wait3A_47] : memref<8x64xi32, #tpu.memory_space<vmem>> -> memref<1x64xi32, #tpu.memory_space<vmem>>
    %dma_wait3A_49 = tpu.memref_squeeze %dma_wait3A_48 : memref<1x64xi32, #tpu.memory_space<vmem>> -> memref<64xi32, #tpu.memory_space<vmem>>
    %dma_wait3A_50 = arith.constant 0 : i32
    %dma_wait3A_51 = arith.constant 0 : i32
    %dma_wait3A_52 = tpu.memref_slice %arg2[%dma_wait3A_50, %dma_wait3A_51] : memref<16384x512xf32, #tpu.memory_space<hbm>> -> memref<16384x512xf32, #tpu.memory_space<hbm>>
    tpu.wait_indirect_dma semaphore(%arg10 : memref<!tpu.dma_semaphore, #tpu.memory_space<semaphore_mem>>) src(%dma_wait3A_52 : memref<16384x512xf32, #tpu.memory_space<hbm>>) dst(%arg7 : memref<64x512xf32, #tpu.memory_space<vmem>>)
    %add3A_53 = arith.constant 64 : i32
    %add3A_54 = arith.addi %mul3A_2, %add3A_53 : i32
    %dma_start3A_55 = arith.constant 0 : i32
    %dma_start3A_56 = tpu.memref_slice %arg4[%add3A_54, %dma_start3A_55] : memref<16384x512xf32, #tpu.memory_space<hbm>> -> memref<64x512xf32, #tpu.memory_space<hbm>>
    %dma_start3A_57 = arith.constant 0 : i32
    %dma_start3A_58 = tpu.memref_slice %arg4[%add3A_54, %dma_start3A_57] : memref<16384x512xf32, #tpu.memory_space<hbm>> -> memref<64x512xf32, #tpu.memory_space<hbm>>
    tpu.enqueue_dma source(%arg7 : memref<64x512xf32, #tpu.memory_space<vmem>>) target(%dma_start3A_58 : memref<64x512xf32, #tpu.memory_space<hbm>>) target_semaphore(%arg13 : memref<!tpu.dma_semaphore, #tpu.memory_space<semaphore_mem>>)
    %dma_wait3A_59 = arith.constant 0 : i32
    %dma_wait3A_60 = tpu.memref_slice %arg4[%add3A_54, %dma_wait3A_59] : memref<16384x512xf32, #tpu.memory_space<hbm>> -> memref<64x512xf32, #tpu.memory_space<hbm>>
    %dma_wait3A_61 = arith.constant 0 : i32
    %dma_wait3A_62 = tpu.memref_slice %arg4[%add3A_54, %dma_wait3A_61] : memref<16384x512xf32, #tpu.memory_space<hbm>> -> memref<64x512xf32, #tpu.memory_space<hbm>>
    tpu.wait_dma2 semaphore(%arg13 : memref<!tpu.dma_semaphore, #tpu.memory_space<semaphore_mem>>) src(%arg7 : memref<64x512xf32, #tpu.memory_space<vmem>>) dst(%dma_wait3A_62 : memref<64x512xf32, #tpu.memory_space<hbm>>)
    %dma_start3A_63 = arith.constant 4 : i32
    %dma_start3A_64 = arith.constant 0 : i32
    %dma_start3A_65 = tpu.memref_slice %arg5[%dma_start3A_63, %dma_start3A_64] : memref<8x64xi32, #tpu.memory_space<vmem>> -> memref<1x64xi32, #tpu.memory_space<vmem>>
    %dma_start3A_66 = tpu.memref_squeeze %dma_start3A_65 : memref<1x64xi32, #tpu.memory_space<vmem>> -> memref<64xi32, #tpu.memory_space<vmem>>
    %dma_start3A_67 = arith.constant 0 : i32
    %dma_start3A_68 = arith.constant 0 : i32
    %dma_start3A_69 = tpu.memref_slice %arg2[%dma_start3A_67, %dma_start3A_68] : memref<16384x512xf32, #tpu.memory_space<hbm>> -> memref<16384x512xf32, #tpu.memory_space<hbm>>
    tpu.enqueue_indirect_dma source(%dma_start3A_69 : memref<16384x512xf32, #tpu.memory_space<hbm>>) target(%arg7 : memref<64x512xf32, #tpu.memory_space<vmem>>) offsets(%dma_start3A_66 : memref<64xi32, #tpu.memory_space<vmem>>) semaphore(%arg10 : memref<!tpu.dma_semaphore, #tpu.memory_space<semaphore_mem>>)
    %dma_wait3A_70 = arith.constant 2 : i32
    %dma_wait3A_71 = arith.constant 0 : i32
    %dma_wait3A_72 = tpu.memref_slice %arg5[%dma_wait3A_70, %dma_wait3A_71] : memref<8x64xi32, #tpu.memory_space<vmem>> -> memref<1x64xi32, #tpu.memory_space<vmem>>
    %dma_wait3A_73 = tpu.memref_squeeze %dma_wait3A_72 : memref<1x64xi32, #tpu.memory_space<vmem>> -> memref<64xi32, #tpu.memory_space<vmem>>
    %dma_wait3A_74 = arith.constant 0 : i32
    %dma_wait3A_75 = arith.constant 0 : i32
    %dma_wait3A_76 = tpu.memref_slice %arg2[%dma_wait3A_74, %dma_wait3A_75] : memref<16384x512xf32, #tpu.memory_space<hbm>> -> memref<16384x512xf32, #tpu.memory_space<hbm>>
    tpu.wait_indirect_dma semaphore(%arg11 : memref<!tpu.dma_semaphore, #tpu.memory_space<semaphore_mem>>) src(%dma_wait3A_76 : memref<16384x512xf32, #tpu.memory_space<hbm>>) dst(%arg8 : memref<64x512xf32, #tpu.memory_space<vmem>>)
    %add3A_77 = arith.constant 128 : i32
    %add3A_78 = arith.addi %mul3A_2, %add3A_77 : i32
    %dma_start3A_79 = arith.constant 0 : i32
    %dma_start3A_80 = tpu.memref_slice %arg4[%add3A_78, %dma_start3A_79] : memref<16384x512xf32, #tpu.memory_space<hbm>> -> memref<64x512xf32, #tpu.memory_space<hbm>>
    %dma_start3A_81 = arith.constant 0 : i32
    %dma_start3A_82 = tpu.memref_slice %arg4[%add3A_78, %dma_start3A_81] : memref<16384x512xf32, #tpu.memory_space<hbm>> -> memref<64x512xf32, #tpu.memory_space<hbm>>
    tpu.enqueue_dma source(%arg8 : memref<64x512xf32, #tpu.memory_space<vmem>>) target(%dma_start3A_82 : memref<64x512xf32, #tpu.memory_space<hbm>>) target_semaphore(%arg14 : memref<!tpu.dma_semaphore, #tpu.memory_space<semaphore_mem>>)
    %dma_wait3A_83 = arith.constant 0 : i32
    %dma_wait3A_84 = tpu.memref_slice %arg4[%add3A_78, %dma_wait3A_83] : memref<16384x512xf32, #tpu.memory_space<hbm>> -> memref<64x512xf32, #tpu.memory_space<hbm>>
    %dma_wait3A_85 = arith.constant 0 : i32
    %dma_wait3A_86 = tpu.memref_slice %arg4[%add3A_78, %dma_wait3A_85] : memref<16384x512xf32, #tpu.memory_space<hbm>> -> memref<64x512xf32, #tpu.memory_space<hbm>>
    tpu.wait_dma2 semaphore(%arg14 : memref<!tpu.dma_semaphore, #tpu.memory_space<semaphore_mem>>) src(%arg8 : memref<64x512xf32, #tpu.memory_space<vmem>>) dst(%dma_wait3A_86 : memref<64x512xf32, #tpu.memory_space<hbm>>)
    %dma_start3A_87 = arith.constant 5 : i32
    %dma_start3A_88 = arith.constant 0 : i32
    %dma_start3A_89 = tpu.memref_slice %arg5[%dma_start3A_87, %dma_start3A_88] : memref<8x64xi32, #tpu.memory_space<vmem>> -> memref<1x64xi32, #tpu.memory_space<vmem>>
    %dma_start3A_90 = tpu.memref_squeeze %dma_start3A_89 : memref<1x64xi32, #tpu.memory_space<vmem>> -> memref<64xi32, #tpu.memory_space<vmem>>
    %dma_start3A_91 = arith.constant 0 : i32
    %dma_start3A_92 = arith.constant 0 : i32
    %dma_start3A_93 = tpu.memref_slice %arg2[%dma_start3A_91, %dma_start3A_92] : memref<16384x512xf32, #tpu.memory_space<hbm>> -> memref<16384x512xf32, #tpu.memory_space<hbm>>
    tpu.enqueue_indirect_dma source(%dma_start3A_93 : memref<16384x512xf32, #tpu.memory_space<hbm>>) target(%arg8 : memref<64x512xf32, #tpu.memory_space<vmem>>) offsets(%dma_start3A_90 : memref<64xi32, #tpu.memory_space<vmem>>) semaphore(%arg11 : memref<!tpu.dma_semaphore, #tpu.memory_space<semaphore_mem>>)
    %dma_wait3A_94 = arith.constant 3 : i32
    %dma_wait3A_95 = arith.constant 0 : i32
    %dma_wait3A_96 = tpu.memref_slice %arg5[%dma_wait3A_94, %dma_wait3A_95] : memref<8x64xi32, #tpu.memory_space<vmem>> -> memref<1x64xi32, #tpu.memory_space<vmem>>
    %dma_wait3A_97 = tpu.memref_squeeze %dma_wait3A_96 : memref<1x64xi32, #tpu.memory_space<vmem>> -> memref<64xi32, #tpu.memory_space<vmem>>
    %dma_wait3A_98 = arith.constant 0 : i32
    %dma_wait3A_99 = arith.constant 0 : i32
    %dma_wait3A_100 = tpu.memref_slice %arg2[%dma_wait3A_98, %dma_wait3A_99] : memref<16384x512xf32, #tpu.memory_space<hbm>> -> memref<16384x512xf32, #tpu.memory_space<hbm>>
    tpu.wait_indirect_dma semaphore(%arg9 : memref<!tpu.dma_semaphore, #tpu.memory_space<semaphore_mem>>) src(%dma_wait3A_100 : memref<16384x512xf32, #tpu.memory_space<hbm>>) dst(%arg6 : memref<64x512xf32, #tpu.memory_space<vmem>>)
    %add3A_101 = arith.constant 192 : i32
    %add3A_102 = arith.addi %mul3A_2, %add3A_101 : i32
    %dma_start3A_103 = arith.constant 0 : i32
    %dma_start3A_104 = tpu.memref_slice %arg4[%add3A_102, %dma_start3A_103] : memref<16384x512xf32, #tpu.memory_space<hbm>> -> memref<64x512xf32, #tpu.memory_space<hbm>>
    %dma_start3A_105 = arith.constant 0 : i32
    %dma_start3A_106 = tpu.memref_slice %arg4[%add3A_102, %dma_start3A_105] : memref<16384x512xf32, #tpu.memory_space<hbm>> -> memref<64x512xf32, #tpu.memory_space<hbm>>
    tpu.enqueue_dma source(%arg6 : memref<64x512xf32, #tpu.memory_space<vmem>>) target(%dma_start3A_106 : memref<64x512xf32, #tpu.memory_space<hbm>>) target_semaphore(%arg12 : memref<!tpu.dma_semaphore, #tpu.memory_space<semaphore_mem>>)
    %dma_wait3A_107 = arith.constant 0 : i32
    %dma_wait3A_108 = tpu.memref_slice %arg4[%add3A_102, %dma_wait3A_107] : memref<16384x512xf32, #tpu.memory_space<hbm>> -> memref<64x512xf32, #tpu.memory_space<hbm>>
    %dma_wait3A_109 = arith.constant 0 : i32
    %dma_wait3A_110 = tpu.memref_slice %arg4[%add3A_102, %dma_wait3A_109] : memref<16384x512xf32, #tpu.memory_space<hbm>> -> memref<64x512xf32, #tpu.memory_space<hbm>>
    tpu.wait_dma2 semaphore(%arg12 : memref<!tpu.dma_semaphore, #tpu.memory_space<semaphore_mem>>) src(%arg6 : memref<64x512xf32, #tpu.memory_space<vmem>>) dst(%dma_wait3A_110 : memref<64x512xf32, #tpu.memory_space<hbm>>)
    %dma_start3A_111 = arith.constant 6 : i32
    %dma_start3A_112 = arith.constant 0 : i32
    %dma_start3A_113 = tpu.memref_slice %arg5[%dma_start3A_111, %dma_start3A_112] : memref<8x64xi32, #tpu.memory_space<vmem>> -> memref<1x64xi32, #tpu.memory_space<vmem>>
    %dma_start3A_114 = tpu.memref_squeeze %dma_start3A_113 : memref<1x64xi32, #tpu.memory_space<vmem>> -> memref<64xi32, #tpu.memory_space<vmem>>
    %dma_start3A_115 = arith.constant 0 : i32
    %dma_start3A_116 = arith.constant 0 : i32
    %dma_start3A_117 = tpu.memref_slice %arg2[%dma_start3A_115, %dma_start3A_116] : memref<16384x512xf32, #tpu.memory_space<hbm>> -> memref<16384x512xf32, #tpu.memory_space<hbm>>
    tpu.enqueue_indirect_dma source(%dma_start3A_117 : memref<16384x512xf32, #tpu.memory_space<hbm>>) target(%arg6 : memref<64x512xf32, #tpu.memory_space<vmem>>) offsets(%dma_start3A_114 : memref<64xi32, #tpu.memory_space<vmem>>) semaphore(%arg9 : memref<!tpu.dma_semaphore, #tpu.memory_space<semaphore_mem>>)
    %dma_wait3A_118 = arith.constant 4 : i32
    %dma_wait3A_119 = arith.constant 0 : i32
    %dma_wait3A_120 = tpu.memref_slice %arg5[%dma_wait3A_118, %dma_wait3A_119] : memref<8x64xi32, #tpu.memory_space<vmem>> -> memref<1x64xi32, #tpu.memory_space<vmem>>
    %dma_wait3A_121 = tpu.memref_squeeze %dma_wait3A_120 : memref<1x64xi32, #tpu.memory_space<vmem>> -> memref<64xi32, #tpu.memory_space<vmem>>
    %dma_wait3A_122 = arith.constant 0 : i32
    %dma_wait3A_123 = arith.constant 0 : i32
    %dma_wait3A_124 = tpu.memref_slice %arg2[%dma_wait3A_122, %dma_wait3A_123] : memref<16384x512xf32, #tpu.memory_space<hbm>> -> memref<16384x512xf32, #tpu.memory_space<hbm>>
    tpu.wait_indirect_dma semaphore(%arg10 : memref<!tpu.dma_semaphore, #tpu.memory_space<semaphore_mem>>) src(%dma_wait3A_124 : memref<16384x512xf32, #tpu.memory_space<hbm>>) dst(%arg7 : memref<64x512xf32, #tpu.memory_space<vmem>>)
    %add3A_125 = arith.constant 256 : i32
    %add3A_126 = arith.addi %mul3A_2, %add3A_125 : i32
    %dma_start3A_127 = arith.constant 0 : i32
    %dma_start3A_128 = tpu.memref_slice %arg4[%add3A_126, %dma_start3A_127] : memref<16384x512xf32, #tpu.memory_space<hbm>> -> memref<64x512xf32, #tpu.memory_space<hbm>>
    %dma_start3A_129 = arith.constant 0 : i32
    %dma_start3A_130 = tpu.memref_slice %arg4[%add3A_126, %dma_start3A_129] : memref<16384x512xf32, #tpu.memory_space<hbm>> -> memref<64x512xf32, #tpu.memory_space<hbm>>
    tpu.enqueue_dma source(%arg7 : memref<64x512xf32, #tpu.memory_space<vmem>>) target(%dma_start3A_130 : memref<64x512xf32, #tpu.memory_space<hbm>>) target_semaphore(%arg13 : memref<!tpu.dma_semaphore, #tpu.memory_space<semaphore_mem>>)
    %dma_wait3A_131 = arith.constant 0 : i32
    %dma_wait3A_132 = tpu.memref_slice %arg4[%add3A_126, %dma_wait3A_131] : memref<16384x512xf32, #tpu.memory_space<hbm>> -> memref<64x512xf32, #tpu.memory_space<hbm>>
    %dma_wait3A_133 = arith.constant 0 : i32
    %dma_wait3A_134 = tpu.memref_slice %arg4[%add3A_126, %dma_wait3A_133] : memref<16384x512xf32, #tpu.memory_space<hbm>> -> memref<64x512xf32, #tpu.memory_space<hbm>>
    tpu.wait_dma2 semaphore(%arg13 : memref<!tpu.dma_semaphore, #tpu.memory_space<semaphore_mem>>) src(%arg7 : memref<64x512xf32, #tpu.memory_space<vmem>>) dst(%dma_wait3A_134 : memref<64x512xf32, #tpu.memory_space<hbm>>)
    %dma_start3A_135 = arith.constant 7 : i32
    %dma_start3A_136 = arith.constant 0 : i32
    %dma_start3A_137 = tpu.memref_slice %arg5[%dma_start3A_135, %dma_start3A_136] : memref<8x64xi32, #tpu.memory_space<vmem>> -> memref<1x64xi32, #tpu.memory_space<vmem>>
    %dma_start3A_138 = tpu.memref_squeeze %dma_start3A_137 : memref<1x64xi32, #tpu.memory_space<vmem>> -> memref<64xi32, #tpu.memory_space<vmem>>
    %dma_start3A_139 = arith.constant 0 : i32
    %dma_start3A_140 = arith.constant 0 : i32
    %dma_start3A_141 = tpu.memref_slice %arg2[%dma_start3A_139, %dma_start3A_140] : memref<16384x512xf32, #tpu.memory_space<hbm>> -> memref<16384x512xf32, #tpu.memory_space<hbm>>
    tpu.enqueue_indirect_dma source(%dma_start3A_141 : memref<16384x512xf32, #tpu.memory_space<hbm>>) target(%arg7 : memref<64x512xf32, #tpu.memory_space<vmem>>) offsets(%dma_start3A_138 : memref<64xi32, #tpu.memory_space<vmem>>) semaphore(%arg10 : memref<!tpu.dma_semaphore, #tpu.memory_space<semaphore_mem>>)
    %dma_wait3A_142 = arith.constant 5 : i32
    %dma_wait3A_143 = arith.constant 0 : i32
    %dma_wait3A_144 = tpu.memref_slice %arg5[%dma_wait3A_142, %dma_wait3A_143] : memref<8x64xi32, #tpu.memory_space<vmem>> -> memref<1x64xi32, #tpu.memory_space<vmem>>
    %dma_wait3A_145 = tpu.memref_squeeze %dma_wait3A_144 : memref<1x64xi32, #tpu.memory_space<vmem>> -> memref<64xi32, #tpu.memory_space<vmem>>
    %dma_wait3A_146 = arith.constant 0 : i32
    %dma_wait3A_147 = arith.constant 0 : i32
    %dma_wait3A_148 = tpu.memref_slice %arg2[%dma_wait3A_146, %dma_wait3A_147] : memref<16384x512xf32, #tpu.memory_space<hbm>> -> memref<16384x512xf32, #tpu.memory_space<hbm>>
    tpu.wait_indirect_dma semaphore(%arg11 : memref<!tpu.dma_semaphore, #tpu.memory_space<semaphore_mem>>) src(%dma_wait3A_148 : memref<16384x512xf32, #tpu.memory_space<hbm>>) dst(%arg8 : memref<64x512xf32, #tpu.memory_space<vmem>>)
    %add3A_149 = arith.constant 320 : i32
    %add3A_150 = arith.addi %mul3A_2, %add3A_149 : i32
    %dma_start3A_151 = arith.constant 0 : i32
    %dma_start3A_152 = tpu.memref_slice %arg4[%add3A_150, %dma_start3A_151] : memref<16384x512xf32, #tpu.memory_space<hbm>> -> memref<64x512xf32, #tpu.memory_space<hbm>>
    %dma_start3A_153 = arith.constant 0 : i32
    %dma_start3A_154 = tpu.memref_slice %arg4[%add3A_150, %dma_start3A_153] : memref<16384x512xf32, #tpu.memory_space<hbm>> -> memref<64x512xf32, #tpu.memory_space<hbm>>
    tpu.enqueue_dma source(%arg8 : memref<64x512xf32, #tpu.memory_space<vmem>>) target(%dma_start3A_154 : memref<64x512xf32, #tpu.memory_space<hbm>>) target_semaphore(%arg14 : memref<!tpu.dma_semaphore, #tpu.memory_space<semaphore_mem>>)
    %dma_wait3A_155 = arith.constant 6 : i32
    %dma_wait3A_156 = arith.constant 0 : i32
    %dma_wait3A_157 = tpu.memref_slice %arg5[%dma_wait3A_155, %dma_wait3A_156] : memref<8x64xi32, #tpu.memory_space<vmem>> -> memref<1x64xi32, #tpu.memory_space<vmem>>
    %dma_wait3A_158 = tpu.memref_squeeze %dma_wait3A_157 : memref<1x64xi32, #tpu.memory_space<vmem>> -> memref<64xi32, #tpu.memory_space<vmem>>
    %dma_wait3A_159 = arith.constant 0 : i32
    %dma_wait3A_160 = arith.constant 0 : i32
    %dma_wait3A_161 = tpu.memref_slice %arg2[%dma_wait3A_159, %dma_wait3A_160] : memref<16384x512xf32, #tpu.memory_space<hbm>> -> memref<16384x512xf32, #tpu.memory_space<hbm>>
    tpu.wait_indirect_dma semaphore(%arg9 : memref<!tpu.dma_semaphore, #tpu.memory_space<semaphore_mem>>) src(%dma_wait3A_161 : memref<16384x512xf32, #tpu.memory_space<hbm>>) dst(%arg6 : memref<64x512xf32, #tpu.memory_space<vmem>>)
    %add3A_162 = arith.constant 384 : i32
    %add3A_163 = arith.addi %mul3A_2, %add3A_162 : i32
    %dma_start3A_164 = arith.constant 0 : i32
    %dma_start3A_165 = tpu.memref_slice %arg4[%add3A_163, %dma_start3A_164] : memref<16384x512xf32, #tpu.memory_space<hbm>> -> memref<64x512xf32, #tpu.memory_space<hbm>>
    %dma_start3A_166 = arith.constant 0 : i32
    %dma_start3A_167 = tpu.memref_slice %arg4[%add3A_163, %dma_start3A_166] : memref<16384x512xf32, #tpu.memory_space<hbm>> -> memref<64x512xf32, #tpu.memory_space<hbm>>
    tpu.enqueue_dma source(%arg6 : memref<64x512xf32, #tpu.memory_space<vmem>>) target(%dma_start3A_167 : memref<64x512xf32, #tpu.memory_space<hbm>>) target_semaphore(%arg12 : memref<!tpu.dma_semaphore, #tpu.memory_space<semaphore_mem>>)
    %dma_wait3A_168 = arith.constant 7 : i32
    %dma_wait3A_169 = arith.constant 0 : i32
    %dma_wait3A_170 = tpu.memref_slice %arg5[%dma_wait3A_168, %dma_wait3A_169] : memref<8x64xi32, #tpu.memory_space<vmem>> -> memref<1x64xi32, #tpu.memory_space<vmem>>
    %dma_wait3A_171 = tpu.memref_squeeze %dma_wait3A_170 : memref<1x64xi32, #tpu.memory_space<vmem>> -> memref<64xi32, #tpu.memory_space<vmem>>
    %dma_wait3A_172 = arith.constant 0 : i32
    %dma_wait3A_173 = arith.constant 0 : i32
    %dma_wait3A_174 = tpu.memref_slice %arg2[%dma_wait3A_172, %dma_wait3A_173] : memref<16384x512xf32, #tpu.memory_space<hbm>> -> memref<16384x512xf32, #tpu.memory_space<hbm>>
    tpu.wait_indirect_dma semaphore(%arg10 : memref<!tpu.dma_semaphore, #tpu.memory_space<semaphore_mem>>) src(%dma_wait3A_174 : memref<16384x512xf32, #tpu.memory_space<hbm>>) dst(%arg7 : memref<64x512xf32, #tpu.memory_space<vmem>>)
    %add3A_175 = arith.constant 448 : i32
    %add3A_176 = arith.addi %mul3A_2, %add3A_175 : i32
    %dma_start3A_177 = arith.constant 0 : i32
    %dma_start3A_178 = tpu.memref_slice %arg4[%add3A_176, %dma_start3A_177] : memref<16384x512xf32, #tpu.memory_space<hbm>> -> memref<64x512xf32, #tpu.memory_space<hbm>>
    %dma_start3A_179 = arith.constant 0 : i32
    %dma_start3A_180 = tpu.memref_slice %arg4[%add3A_176, %dma_start3A_179] : memref<16384x512xf32, #tpu.memory_space<hbm>> -> memref<64x512xf32, #tpu.memory_space<hbm>>
    tpu.enqueue_dma source(%arg7 : memref<64x512xf32, #tpu.memory_space<vmem>>) target(%dma_start3A_180 : memref<64x512xf32, #tpu.memory_space<hbm>>) target_semaphore(%arg13 : memref<!tpu.dma_semaphore, #tpu.memory_space<semaphore_mem>>)
    %dma_wait3A_181 = arith.constant 0 : i32
    %dma_wait3A_182 = tpu.memref_slice %arg4[%add3A_150, %dma_wait3A_181] : memref<16384x512xf32, #tpu.memory_space<hbm>> -> memref<64x512xf32, #tpu.memory_space<hbm>>
    %dma_wait3A_183 = arith.constant 0 : i32
    %dma_wait3A_184 = tpu.memref_slice %arg4[%add3A_150, %dma_wait3A_183] : memref<16384x512xf32, #tpu.memory_space<hbm>> -> memref<64x512xf32, #tpu.memory_space<hbm>>
    tpu.wait_dma2 semaphore(%arg14 : memref<!tpu.dma_semaphore, #tpu.memory_space<semaphore_mem>>) src(%arg8 : memref<64x512xf32, #tpu.memory_space<vmem>>) dst(%dma_wait3A_184 : memref<64x512xf32, #tpu.memory_space<hbm>>)
    %dma_wait3A_185 = arith.constant 0 : i32
    %dma_wait3A_186 = tpu.memref_slice %arg4[%add3A_163, %dma_wait3A_185] : memref<16384x512xf32, #tpu.memory_space<hbm>> -> memref<64x512xf32, #tpu.memory_space<hbm>>
    %dma_wait3A_187 = arith.constant 0 : i32
    %dma_wait3A_188 = tpu.memref_slice %arg4[%add3A_163, %dma_wait3A_187] : memref<16384x512xf32, #tpu.memory_space<hbm>> -> memref<64x512xf32, #tpu.memory_space<hbm>>
    tpu.wait_dma2 semaphore(%arg12 : memref<!tpu.dma_semaphore, #tpu.memory_space<semaphore_mem>>) src(%arg6 : memref<64x512xf32, #tpu.memory_space<vmem>>) dst(%dma_wait3A_188 : memref<64x512xf32, #tpu.memory_space<hbm>>)
    %dma_wait3A_189 = arith.constant 0 : i32
    %dma_wait3A_190 = tpu.memref_slice %arg4[%add3A_176, %dma_wait3A_189] : memref<16384x512xf32, #tpu.memory_space<hbm>> -> memref<64x512xf32, #tpu.memory_space<hbm>>
    %dma_wait3A_191 = arith.constant 0 : i32
    %dma_wait3A_192 = tpu.memref_slice %arg4[%add3A_176, %dma_wait3A_191] : memref<16384x512xf32, #tpu.memory_space<hbm>> -> memref<64x512xf32, #tpu.memory_space<hbm>>
    tpu.wait_dma2 semaphore(%arg13 : memref<!tpu.dma_semaphore, #tpu.memory_space<semaphore_mem>>) src(%arg7 : memref<64x512xf32, #tpu.memory_space<vmem>>) dst(%dma_wait3A_192 : memref<64x512xf32, #tpu.memory_space<hbm>>)
    return
  }
}

module attributes {stable_mosaic.version = 14 : i64} {
  func.func @_argmin_body(%arg0: i32, %arg1: i32, %arg2: memref<1x512x2xf32, #tpu.memory_space<vmem>>, %arg3: memref<1x2x4096xf32, #tpu.memory_space<vmem>>, %arg4: memref<1x4096xf32, #tpu.memory_space<vmem>>, %arg5: memref<1x1x1x512xi32, #tpu.memory_space<vmem>>) attributes {dimension_semantics = [#tpu.dimension_semantics<parallel>, #tpu.dimension_semantics<parallel>], iteration_bounds = array<i64: 4, 8>, scalar_prefetch = 0 : i64, scratch_operands = 0 : i64, tpu.core_type = #tpu.core_type<tc>, window_params = [{transform_indices = @transform_0, window_bounds = array<i64: 1, 512, 2>}, {transform_indices = @transform_1, window_bounds = array<i64: 1, 2, 4096>}, {pipeline_mode = #tpu.pipeline_mode<synchronous>, transform_indices = @transform_2, window_bounds = array<i64: 1, 4096>}, {transform_indices = @transform_3, window_bounds = array<i64: 1, 1, 1, 512>}]} {
    %get3A = arith.constant 0 : index
    %get3A_0 = arith.constant 0 : index
    %get3A_1 = arith.constant 0 : index
    %get3A_2 = vector.load %arg2[%get3A, %get3A_0, %get3A_1] : memref<1x512x2xf32, #tpu.memory_space<vmem>>, vector<1x512x2xf32>
    %get3A_3 = vector.shape_cast %get3A_2 : vector<1x512x2xf32> to vector<512x2xf32>
    %slice3A = vector.extract_strided_slice %get3A_3 {offsets = [0, 0], sizes = [512, 1], strides = [1, 1]} : vector<512x2xf32> to vector<512x1xf32>
    %slice3A_4 = vector.extract_strided_slice %get3A_3 {offsets = [0, 1], sizes = [512, 1], strides = [1, 1]} : vector<512x2xf32> to vector<512x1xf32>
    %get3A_5 = arith.constant 0 : index
    %get3A_6 = arith.constant 0 : index
    %get3A_7 = arith.constant 0 : index
    %get3A_8 = vector.load %arg3[%get3A_5, %get3A_6, %get3A_7] : memref<1x2x4096xf32, #tpu.memory_space<vmem>>, vector<1x2x4096xf32>
    %get3A_9 = vector.shape_cast %get3A_8 : vector<1x2x4096xf32> to vector<2x4096xf32>
    %slice3A_10 = vector.extract_strided_slice %get3A_9 {offsets = [0, 0], sizes = [1, 4096], strides = [1, 1]} : vector<2x4096xf32> to vector<1x4096xf32>
    %slice3A_11 = vector.extract_strided_slice %get3A_9 {offsets = [1, 0], sizes = [1, 4096], strides = [1, 1]} : vector<2x4096xf32> to vector<1x4096xf32>
    %mul3A = arith.mulf %slice3A, %slice3A : vector<512x1xf32>
    %mul3A_12 = arith.mulf %slice3A_4, %slice3A_4 : vector<512x1xf32>
    %add3A = arith.addf %mul3A, %mul3A_12 : vector<512x1xf32>
    %mul3A_13 = arith.mulf %slice3A_10, %slice3A_10 : vector<1x4096xf32>
    %mul3A_14 = arith.mulf %slice3A_11, %slice3A_11 : vector<1x4096xf32>
    %add3A_15 = arith.addf %mul3A_13, %mul3A_14 : vector<1x4096xf32>
    %convert_element_type3A = arith.truncf %get3A_3 : vector<512x2xf32> to vector<512x2xbf16>
    %mul3A_16 = arith.constant 2.000000e+00 : f32
    %mul3A_17 = vector.broadcast %mul3A_16 : f32 to vector<2x4096xf32>
    %mul3A_18 = arith.mulf %get3A_9, %mul3A_17 : vector<2x4096xf32>
    %convert_element_type3A_19 = arith.truncf %mul3A_18 : vector<2x4096xf32> to vector<2x4096xbf16>
    %dot_general3A = arith.constant dense<0.000000e+00> : vector<512x4096xf32>
    %dot_general3A_20 = tpu.matmul %convert_element_type3A, %convert_element_type3A_19, %dot_general3A {dimension_numbers = #tpu.dot_dimension_numbers<[1], [0], [0], [1], [0, 0, 1, 1], [], []>, transpose_lhs_hint = false} : vector<512x2xbf16>, vector<2x4096xbf16>, vector<512x4096xf32> -> vector<512x4096xf32>
    %add3A_21 = vector.broadcast %add3A : vector<512x1xf32> to vector<512x4096xf32>
    %add3A_22 = vector.broadcast %add3A_15 : vector<1x4096xf32> to vector<512x4096xf32>
    %add3A_23 = arith.addf %add3A_21, %add3A_22 : vector<512x4096xf32>
    %sub3A = arith.subf %add3A_23, %dot_general3A_20 : vector<512x4096xf32>
    %reduce_min3A = arith.constant dense<0x7F800000> : vector<512xf32>
    %reduce_min3A_24 = vector.multi_reduction <minimumf>, %sub3A, %reduce_min3A [1] : vector<512x4096xf32> to vector<512xf32>
    %max3A = arith.constant 0.000000e+00 : f32
    %max3A_25 = vector.broadcast %max3A : f32 to vector<512xf32>
    %max3A_26 = arith.maximumf %reduce_min3A_24, %max3A_25 : vector<512xf32>
    %reshape3A = vector.shape_cast %max3A_26 : vector<512xf32> to vector<1x512xf32>
    %sqrt3A = math.sqrt %reshape3A : vector<1x512xf32>
    %bitcast_convert_type3A = tpu.bitcast %reshape3A : vector<1x512xf32> -> vector<1x512xi32>
    %add3A_27 = arith.constant 1 : i32
    %add3A_28 = vector.broadcast %add3A_27 : i32 to vector<1x512xi32>
    %add3A_29 = arith.addi %bitcast_convert_type3A, %add3A_28 : vector<1x512xi32>
    %bitcast_convert_type3A_30 = tpu.bitcast %add3A_29 : vector<1x512xi32> -> vector<1x512xf32>
    %sqrt3A_31 = math.sqrt %bitcast_convert_type3A_30 : vector<1x512xf32>
    %eq3A = arith.cmpf oeq, %sqrt3A_31, %sqrt3A : vector<1x512xf32>
    %select_n3A = arith.select %eq3A, %bitcast_convert_type3A_30, %reshape3A : vector<1x512xi1>, vector<1x512xf32>
    %add3A_32 = arith.constant 2 : i32
    %add3A_33 = vector.broadcast %add3A_32 : i32 to vector<1x512xi32>
    %add3A_34 = arith.addi %bitcast_convert_type3A, %add3A_33 : vector<1x512xi32>
    %bitcast_convert_type3A_35 = tpu.bitcast %add3A_34 : vector<1x512xi32> -> vector<1x512xf32>
    %sqrt3A_36 = math.sqrt %bitcast_convert_type3A_35 : vector<1x512xf32>
    %eq3A_37 = arith.cmpf oeq, %sqrt3A_36, %sqrt3A : vector<1x512xf32>
    %select_n3A_38 = arith.select %eq3A_37, %bitcast_convert_type3A_35, %select_n3A : vector<1x512xi1>, vector<1x512xf32>
    %add3A_39 = arith.constant 3 : i32
    %add3A_40 = vector.broadcast %add3A_39 : i32 to vector<1x512xi32>
    %add3A_41 = arith.addi %bitcast_convert_type3A, %add3A_40 : vector<1x512xi32>
    %bitcast_convert_type3A_42 = tpu.bitcast %add3A_41 : vector<1x512xi32> -> vector<1x512xf32>
    %sqrt3A_43 = math.sqrt %bitcast_convert_type3A_42 : vector<1x512xf32>
    %eq3A_44 = arith.cmpf oeq, %sqrt3A_43, %sqrt3A : vector<1x512xf32>
    %select_n3A_45 = arith.select %eq3A_44, %bitcast_convert_type3A_42, %select_n3A_38 : vector<1x512xi1>, vector<1x512xf32>
    %add3A_46 = arith.constant 4 : i32
    %add3A_47 = vector.broadcast %add3A_46 : i32 to vector<1x512xi32>
    %add3A_48 = arith.addi %bitcast_convert_type3A, %add3A_47 : vector<1x512xi32>
    %bitcast_convert_type3A_49 = tpu.bitcast %add3A_48 : vector<1x512xi32> -> vector<1x512xf32>
    %sqrt3A_50 = math.sqrt %bitcast_convert_type3A_49 : vector<1x512xf32>
    %eq3A_51 = arith.cmpf oeq, %sqrt3A_50, %sqrt3A : vector<1x512xf32>
    %select_n3A_52 = arith.select %eq3A_51, %bitcast_convert_type3A_49, %select_n3A_45 : vector<1x512xi1>, vector<1x512xf32>
    %reshape3A_53 = vector.shape_cast %select_n3A_52 : vector<1x512xf32> to vector<512x1xf32>
    %get3A_54 = arith.constant 0 : index
    %get3A_55 = arith.constant 0 : index
    %get3A_56 = vector.load %arg4[%get3A_54, %get3A_55] : memref<1x4096xf32, #tpu.memory_space<vmem>>, vector<1x4096xf32>
    %get3A_57 = vector.shape_cast %get3A_56 : vector<1x4096xf32> to vector<4096xf32>
    %le3A = vector.broadcast %reshape3A_53 : vector<512x1xf32> to vector<512x4096xf32>
    %le3A_58 = arith.cmpf ole, %sub3A, %le3A : vector<512x4096xf32>
    %jit3A = arith.constant 4.096000e+03 : f32
    %broadcast_in_dim3A = vector.shape_cast %get3A_57 : vector<4096xf32> to vector<1x4096xf32>
    %broadcast_in_dim3A_59 = vector.broadcast %broadcast_in_dim3A : vector<1x4096xf32> to vector<512x4096xf32>
    %broadcast_in_dim3A_60 = vector.broadcast %jit3A : f32 to vector<512x4096xf32>
    %select_n3A_61 = arith.select %le3A_58, %broadcast_in_dim3A_59, %broadcast_in_dim3A_60 : vector<512x4096xi1>, vector<512x4096xf32>
    %reduce_min3A_62 = arith.constant dense<0x7F800000> : vector<512xf32>
    %reduce_min3A_63 = vector.multi_reduction <minimumf>, %select_n3A_61, %reduce_min3A_62 [1] : vector<512x4096xf32> to vector<512xf32>
    %convert_element_type3A_64 = arith.fptosi %reduce_min3A_63 : vector<512xf32> to vector<512xi32>
    %mul3A_65 = arith.constant 4096 : i32
    %mul3A_66 = arith.muli %arg0, %mul3A_65 : i32
    %add3A_67 = vector.broadcast %mul3A_66 : i32 to vector<512xi32>
    %add3A_68 = arith.addi %convert_element_type3A_64, %add3A_67 : vector<512xi32>
    %swap3A = arith.constant 0 : index
    %swap3A_69 = arith.constant 0 : index
    %swap3A_70 = arith.constant 0 : index
    %swap3A_71 = arith.constant 0 : index
    %swap3A_72 = vector.load %arg5[%swap3A, %swap3A_69, %swap3A_70, %swap3A_71] : memref<1x1x1x512xi32, #tpu.memory_space<vmem>>, vector<1x1x1x512xi32>
    %swap3A_73 = vector.shape_cast %swap3A_72 : vector<1x1x1x512xi32> to vector<512xi32>
    %swap3A_74 = vector.shape_cast %add3A_68 : vector<512xi32> to vector<1x1x1x512xi32>
    tpu.vector_store %arg5[%swap3A, %swap3A_69, %swap3A_70, %swap3A_71], %swap3A_74 {strides = array<i32>} : memref<1x1x1x512xi32, #tpu.memory_space<vmem>>, vector<1x1x1x512xi32>,
    return
  }
  func.func @transform_0(%arg0: i32, %arg1: i32) -> (i32, i32, i32) {
    %c0_i32 = arith.constant 0 : i32
    %c0_i32_0 = arith.constant 0 : i32
    return %arg0, %arg1, %c0_i32 : i32, i32, i32
  }
  func.func @transform_1(%arg0: i32, %arg1: i32) -> (i32, i32, i32) {
    %c0_i32 = arith.constant 0 : i32
    %c0_i32_0 = arith.constant 0 : i32
    %c0_i32_1 = arith.constant 0 : i32
    return %arg0, %c0_i32, %c0_i32_0 : i32, i32, i32
  }
  func.func @transform_2(%arg0: i32, %arg1: i32) -> (i32, i32) {
    %c0_i32 = arith.constant 0 : i32
    %c0_i32_0 = arith.constant 0 : i32
    %c0_i32_1 = arith.constant 0 : i32
    return %c0_i32, %c0_i32_0 : i32, i32
  }
  func.func @transform_3(%arg0: i32, %arg1: i32) -> (i32, i32, i32, i32) {
    %c0_i32 = arith.constant 0 : i32
    %c0_i32_0 = arith.constant 0 : i32
    %c0_i32_1 = arith.constant 0 : i32
    return %arg0, %arg1, %c0_i32, %c0_i32_0 : i32, i32, i32, i32
  }
}

</mosaic_0001>

<sc_bundles>
// kernel: kernel.4.cloned.1.call-start
scs
__scs_entry_jumppad:
0x0: {  	(pc) =	sbr.rel $0x88, $3  }
0x1: {  	(tag) =	ssettag $0x0;
	lr =	simm.s32 $0x1  }
0x2: {  	[smem:$0x3F9E] =	sst lr;
	_ =	strace $0xD0000000  }
0x3: {  	_ = 	snop  }
0x4: {  	_ = 	snop  }
0x5: {  	_ = 	snop  }
0x6: {  	_ = 	snop  }
0x7: {  	_ = 	snop  }
__scs_overlays_trampoline_lowered:
0x8: {  	[smem:$0x3FAD] =	sst s0  }
0x9: {  	[smem:$0x3FAE] =	sst s1  }
0xa: {  	[smem:$0x3FAF] =	sst s2  }
0xb: {  	[smem:$0x3FB0] =	sst s3  }
0xc: {  	[smem:$0x3FB1] =	sst s4  }
0xd: {  	[smem:$0x3FB2] =	sst s5  }
0xe: {  	[smem:$0x3FB3] =	sst s6  }
0xf: {  	[smem:$0x3FB4] =	sst s7  }
0x10: {  	[smem:$0x3FB5] =	sst s8  }
0x11: {  	[smem:$0x3FB6] =	sst s9;
	s0 =	simm.s32 @!p0 $0x0  }
0x12: {  	s1 =	sld [smem:$0x3F9C];
	s0 =	simm.s32 @p0 $0x1  }
0x13: {  	[smem:$0x3FB7] =	sst s0;
	s0 =	simm.s32 @!p1 $0x0  }
0x14: {  	s2 =	sld [smem:$0x3F9B];
	s0 =	simm.s32 @p1 $0x1  }
0x15: {  	[smem:$0x3FB8] =	sst s0;
	s0 =	simm.s32 @!p2 $0x0  }
0x16: {  	s3 =	sld [smem:$0x3FDB];
	s0 =	simm.s32 @p2 $0x1  }
0x17: {  	s4 =	simm.s32 $0x1BF5;
	[smem:$0x3FBA] =	sst s0  }
0x18: {  	s0 =	sld [smem:$0x3F9D];
	_ =	swait.ge [sflag:s4], $0x0  }
0x19: {  	s7 =	sld [smem:$0x3F9E]  }
0x1a: {  	s8 =	sadd.s32 $0xFFFFE003, lr  }
0x1b: {  	s9 =	sadd.s32 $0xFFFFFEF7, lr;
	s5 =	simm.s32 $0xFFFFFFFF;
	p2 =	slt.u32 s8, $0xFFFFF086  }
0x1c: {  	p1 =	slt.u32 s9, $0xF7A;
	s5 =	simm.s32 @!p2 $0x0  }
0x1d: {  	s5 =	simm.s32 @p1 $0x1;
	p0 =	seq.s32 s7, s2  }
0x1e: {  	s7 =	smul.u32 @!p0 $0xF7A, s2;
	p2 =	seq.s32 @!p0 s5, $0x0  }
0x1f: {  	s9 =	smul.u32 $0xF7A, s1;
	s8 =	simm.s32 @!p0 $0x1BF5;
	p2 =	por !p2, p0  }
0x20: {  	[sflag:s8] =	ssyncset.s32 @!p0 $0xFFFFF086;
	s6 =	sadd.s32 @!p0 s3, s7;
	s7 =	simm.s32 @!p0 $0x108  }
0x21: {  	s3 =	sadd.s32 s3, s9;
	s6 =	sadd.s32 @!p0 $0x88, s6;
	s7 =	simm.s32 @p2 $0x1082  }
0x22: {  	[simem:s7], [sflag:s8] =	dma.local @!p0 [hbm:s6], $0xF7A  }
0x23: {  	s9 =	sor.u32 $0xD0000000, s2;
	s6 =	simm.s32 $0x108;
	_ =	swait.ge @!p0 [sflag:s8], $0x0  }
0x24: {  	s3 =	sadd.s32 $0x88, s3;
	s6 =	simm.s32 @!p1 $0x1082;
	[sflag:s4] =	ssyncset.s32 $0xFFFFF086  }
0x25: {  	[simem:s6], [sflag:s4] =	dma.local [hbm:s3], $0xF7A  }
0x26: {  	[smem:$0x3F9E] =	sst s1;
	(tag) =	ssettag s2;
	_ =	strace s9  }
0x27: {  	s1 =	sld [smem:$0x3FAE]  }
0x28: {  	s2 =	sld [smem:$0x3FAF]  }
0x29: {  	s4 =	sld [smem:$0x3FB1]  }
0x2a: {  	p0 =	seq.s32 s5, $0x0;
	s5 =	sld [smem:$0x3FB2]  }
0x2b: {  	s6 =	sld [smem:$0x3FB3]  }
0x2c: {  	s7 =	sld [smem:$0x3FB4]  }
0x2d: {  	s3 =	simm.s32 $0x108;
	s8 =	sld [smem:$0x3FB5]  }
0x2e: {  	s3 =	simm.s32 @!p0 $0x1082;
	s9 =	sld [smem:$0x3FB6]  }
0x2f: {  	lr =	sadd.s32 s0, s3;
	s0 =	sld [smem:$0x3FAD]  }
0x30: {  	s3 =	sld [smem:$0x3FB0]  }
0x31: {  	[smem:$0x3FB9] =	sst s10  }
0x32: {  	s10 =	sld [smem:$0x3FB7];
	_ =	sdelay $0x3  }
0x33: {  	p0 =	seq.s32 s10, $0x1;
	s10 =	sld [smem:$0x3FB9];
	_ =	sdelay $0x3  }
0x34: {  	[smem:$0x3FB9] =	sst s10  }
0x35: {  	s10 =	sld [smem:$0x3FB8];
	_ =	sdelay $0x3  }
0x36: {  	p1 =	seq.s32 s10, $0x1;
	s10 =	sld [smem:$0x3FB9];
	_ =	sdelay $0x3  }
0x37: {  	[smem:$0x3FB9] =	sst s10  }
0x38: {  	s10 =	sld [smem:$0x3FBA]  }
0x39: {  	_ = 	snop;
	(pc) =	sbr.ind lr, $3  }
0x3a: {  	_ = 	snop  }
0x3b: {  	_ = 	snop  }
0x3c: {  	p2 =	seq.s32 s10, $0x1;
	s10 =	sld [smem:$0x3FB9]  }
0x3d: {  	_ =	shalt  }
0x3e: {  	_ =	shalt  }
0x3f: {  	_ =	shalt  }
0x40: {  	_ =	shalt  }
0x41: {  	_ =	shalt  }
0x42: {  	_ =	shalt  }
0x43: {  	_ =	shalt  }
0x44: {  	_ =	shalt  }
0x45: {  	_ =	shalt  }
0x46: {  	_ =	shalt  }
0x47: {  	_ =	shalt  }
0x48: {  	_ =	shalt  }
0x49: {  	_ =	shalt  }
0x4a: {  	_ =	shalt  }
0x4b: {  	_ =	shalt  }
0x4c: {  	_ =	shalt  }
0x4d: {  	_ =	shalt  }
0x4e: {  	_ =	shalt  }
0x4f: {  	_ =	shalt  }
0x50: {  	_ =	shalt  }
0x51: {  	_ =	shalt  }
0x52: {  	_ =	shalt  }
0x53: {  	_ =	shalt  }
0x54: {  	_ =	shalt  }
0x55: {  	_ =	shalt  }
0x56: {  	_ =	shalt  }
0x57: {  	_ =	shalt  }
0x58: {  	_ =	shalt  }
0x59: {  	_ =	shalt  }
0x5a: {  	_ =	shalt  }
0x5b: {  	_ =	shalt  }
0x5c: {  	_ =	shalt  }
0x5d: {  	_ =	shalt  }
0x5e: {  	_ =	shalt  }
0x5f: {  	_ =	shalt  }
0x60: {  	_ =	shalt  }
0x61: {  	_ =	shalt  }
0x62: {  	_ =	shalt  }
0x63: {  	_ =	shalt  }
0x64: {  	_ =	shalt  }
0x65: {  	_ =	shalt  }
0x66: {  	_ =	shalt  }
0x67: {  	_ =	shalt  }
0x68: {  	_ =	shalt  }
0x69: {  	_ =	shalt  }
0x6a: {  	_ =	shalt  }
0x6b: {  	_ =	shalt  }
0x6c: {  	_ =	shalt  }
0x6d: {  	_ =	shalt  }
0x6e: {  	_ =	shalt  }
0x6f: {  	_ =	shalt  }
0x70: {  	_ =	shalt  }
0x71: {  	_ =	shalt  }
0x72: {  	_ =	shalt  }
0x73: {  	_ =	shalt  }
0x74: {  	_ =	shalt  }
0x75: {  	_ =	shalt  }
0x76: {  	_ =	shalt  }
0x77: {  	_ =	shalt  }
0x78: {  	_ =	shalt  }
0x79: {  	_ =	shalt  }
0x7a: {  	_ =	shalt  }
0x7b: {  	_ =	shalt  }
0x7c: {  	_ =	shalt  }
0x7d: {  	_ =	shalt  }
0x7e: {  	_ =	shalt  }
0x7f: {  	_ =	shalt  }
0x80: {  	_ =	shalt  }
0x81: {  	_ =	shalt  }
0x82: {  	_ =	shalt  }
0x83: {  	_ =	shalt  }
0x84: {  	_ =	shalt  }
0x85: {  	_ =	shalt  }
0x86: {  	_ =	shalt  }
0x87: {  	_ =	shalt  }
.Lfunc_end0:
.L_simem_size_0:
called_computation_lowered:
.L_overlay_start_0:
0x88: {  	s2 =	sld [smem:$0x3FD9]  }
0x89: {  	s3 =	sld [smem:$0x3FFE];
	_ =	sdelay $0x1  }
0x8a: {  	s1 =	srdreg.scid  }
0x8b: {  	s0 =	sand.u32 $0x1, s1  }
0x8c: {  	s17 =	sshll.u32 s0, $0xA;
	s2 =	sadd.s32 s3, s2  }
0x8d: {  	s2 =	sadd.s32 s2, s17  }
0x8e: {  	[smem:$0x3FC5] =	sst s2  }
0x8f: {  	_ = 	snop  }
0x90: {  	s2 =	sld [smem:$0x3FC7]  }
0x91: {  	s18 =	sld [smem:$0x3FD0];
	(tm) =	ssettm $0x1  }
0x92: {  	s4 =	sld [smem:$0x3FFB];
	_ =	sdelay $0x3  }
0x93: {  	_ =	strace s4  }
0x94: {  	s4 =	sld [smem:$0x3FFC];
	_ =	sdelay $0x3  }
0x95: {  	_ =	strace s4  }
0x96: {  	s4 =	sld [smem:$0x3FFD];
	_ =	sdelay $0x3  }
0x97: {  	_ =	strace s4  }
0x98: {  	_ =	strace $0x8FFFFFFF  }
0x99: {  	s19 =	sld [smem:$0x3FDB];
	_ =	sdelay $0x1  }
0x9a: {  	s5 =	simm.s32 $_scs_section_size  }
0x9b: {  	s6 =	simm.s32 $_size__tile_overlayer_lowered;
	s7 =	simm.s32 $_tile_overlayer_lowered  }
0x9c: {  	s22 =	simm.s32 $0x1BFF;
	s21 =	sshll.u32 s7, $0x1;
	s4 =	sadd.s32 s5, s19  }
0x9d: {  	s8 =	simm.s32 $0x0;
	s20 =	sshll.u32 s6, $0x1;
	s6 =	sadd.s32 s21, s4  }
0x9e: {  	[timem:s8], [sflag:s22] =	dma.local [hbm:s6], s20  }
0x9f: {  	_ =	swait.ge [sflag:s22], s20  }
0xa0: {  	s5 =	ssub.s32 $0x0, s20;
	[sflag:s22] =	ssyncset.done $0x0  }
0xa1: {  	[sflag:s22] =	ssyncadd.s32 s5;
	_ =	sdelay $0x1  }
0xa2: {  	s23 =	simm.s32 $0x1B8B  }
0xa3: {  	_ =	swait.ge [sflag:s23], $0x1  }
0xa4: {  	[sflag:s23] =	ssyncset.done $0x0  }
0xa5: {  	s25 =	simm.s32 $0x1B8E;
	s24 =	sld [smem:$0x3FFE];
	[sflag:s23] =	ssyncadd.s32 $0xFFFFFFFF  }
0xa6: {  	s26 =	simm.s32 $execute0_lowered;
	[smem:$0x3FD2] =	sst s25  }
0xa7: {  	s6 =	sshll.u32 s26, $0x1;
	_ =	strace $0x80000046;
	[dreg:$0x1] =	wrdreg $0xFFFFFFFF  }
0xa8: {  	s28 =	simm.s32 $_size_execute0_lowered;
	s4 =	sadd.s32 s4, s6;
	[dreg:$0x0] =	wrdreg $0x0  }
0xa9: {  	s6 =	sshll.u32 s28, $0x1;
	[dreg:$0x2] =	wrdreg s4  }
0xaa: {  	[dreg:$0x3] =	wrdreg s6  }
0xab: {  	[dreg:$0x4] =	wrdreg $0xC0  }
0xac: {  	_ =	task [dreg:s8], $0x5FFFF  }
0xad: {  	[dreg:$0x1] =	wrdreg $0xFFFFFFFF  }
0xae: {  	[dreg:$0x0] =	wrdreg $0x60  }
0xaf: {  	[dreg:$0x2] =	wrdreg s2  }
0xb0: {  	[dreg:$0x3] =	wrdreg s24  }
0xb1: {  	[dreg:$0x4] =	wrdreg s18  }
0xb2: {  	[dreg:$0x5] =	wrdreg $0x9  }
0xb3: {  	_ =	task.clear_ibuf [dreg:s8], $0x6FFFF;
	_ =	strace $0x90000046  }
0xb4: {  	s29 =	simm.s32 $0x9;
	_ =	strace $0x80000048  }
0xb5: {  	_ =	swait.ge [sflag:s29], $0x1  }
0xb6: {  	[sflag:s29] =	ssyncadd.s32 $0xFFFFFFFF  }
0xb7: {  	_ =	strace $0x90000048  }
0xb8: {  	_ =	sfence  }
0xb9: {  	s30 =	sld [smem:$0x0];
	_ =	sdelay $0x2  }
0xba: {  	s31 =	sshll.u32 s1, $0xD;
	s1 =	sshrl.u32 s1, $0x2  }
0xbb: {  	s3 =	sand.u32 $0x4000, s31;
	s1 =	sadd.s32 s1, s30  }
0xbc: {  	s0 =	sor.u32 s3, s0;
	s1 =	sshll.u32 s1, $0x11  }
0xbd: {  	s0 =	sor.u32 s1, s0  }
0xbe: {  	s0 =	sadd.s32 $0x8F2B, s0  }
0xbf: {  	[sflag:s0] =	ssyncadd.remote.s32 $0x1  }
0xc0: {  	_ =	sfence.sel $0xFFFF  }
0xc1: {  	[dreg:$0x0] =	wrdreg $0xFFFFFFFF;
	(pc) =	sbr.abs _section_cstart, $3  }
0xc2: {  	[dreg:$0x1] =	wrdreg $0xFFFFFFFF  }
0xc3: {  	_ =	task.clear_ibuf [dreg:s8], $0x2FFFF;
	_ =	strace $0x9FFFFFFF  }
0xc4: {  	(tm) =	ssettm $0x7FFFFFFF  }
0xc5: {  	_ =	shalt  }
tec
execute0_lowered:
.L_overlay_start_1:
0x0: {  	(tag) =	ssettag $0x1  }
0x1: {  	s1 =	rddreg [dreg:$0x0];
	s0 =	srdreg.scid  }
0x2: {  	s3 =	stileid.u32;
	s2 =	rddreg [dreg:$0x1]  }
0x3: {  	s4 =	rddreg [dreg:$0x2];
	s15 =	simm.s32 $0x1;
	s16 =	simm.s32 $0x4  }
0x4: {  	s17 =	simm.s32 $0x2;
	s29 =	simm.s32 $0x3;
	s30 =	simm.s32 $0x3C00  }
0x5: {  	s31 =	simm.s32 $0x4400;
	s8 =	simm.s32 $0x10400;
	s12 =	simm.s32 $0x10C00  }
0x6: {  	s13 =	simm.s32 $0x11400;
	s14 =	simm.s32 $0x11C00;
	s7 =	simm.s32 $0x13400  }
0x7: {  	s9 =	simm.s32 $0x14400;
	s0 =	sand.u32 $0x1, s0;
	s3 =	sshll.u32 s3, $0x1  }
0x8: {  	s10 =	simm.s32 $0x14C00;
	s11 =	simm.s32 $0x15400;
	s5 =	sor.u32 s0, s3  }
0x9: {  	s3 =	simm.s32 $0x0;
	s6 =	sshll.u32 s5, $0x7;
	s5 =	sshll.u32 s5, $0xF  }
0xa: {  	[smem:$0x7FF] =	sst s3;
	s2 =	sadd.s32 s6, s2;
	s18 =	sadd.s32 s4, s5  }
0xb: {  	_ =	strace $0x80000047;
	s2 =	sadd.s32 $0x200, s2;
	[dreg:$0xc] =	wrdreg s18  }
0xc: {  	s28 =	simm.s32 $0x17C00;
	s19 =	sadd.s32 $0x1000, s18;
	[dreg:$0x4] =	wrdreg s2  }
0xd: {  	s0 =	ssub.s32 $0x2, s0;
	s20 =	sadd.s32 $0x2000, s18;
	[dreg:$0x5] =	wrdreg s19  }
0xe: {  	s23 =	sshrl.u32 s0, $0x1;
	s21 =	sadd.s32 $0x3000, s18;
	[dreg:$0x6] =	wrdreg s20  }
0xf: {  	s0 =	ssub.s32 s0, s23;
	s22 =	sadd.s32 $0x4000, s18;
	[dreg:$0x7] =	wrdreg s21  }
0x10: {  	s5 =	sadd.s32 $0x100, s1;
	s24 =	sadd.s32 $0x5000, s18;
	[dreg:$0x8] =	wrdreg s22  }
0x11: {  	s4 =	simm.s32 $0x12C00;
	s25 =	sadd.s32 $0x6000, s18;
	[dreg:$0x9] =	wrdreg s24  }
0x12: {  	s23 =	simm.s32 $0x16400;
	s26 =	sadd.s32 $0x7000, s18;
	[dreg:$0xa] =	wrdreg s25  }
0x13: {  	v2 =	vlaneseq.u32;
	s6 =	smax.u32 s0, $0x1;
	s18 =	simm.s32 $0x5;
	[dreg:$0xb] =	wrdreg s26  }
0x14: {  	vm0 =	vmmov $0xffff;
	v1 =	vshrl.u32 v2, $0x3;
	s20 =	simm.s32 $0x6;
	s24 =	simm.s32 $0x400;
	s19 =	simm.s32 $0x13C00  }
0x15: {  	v0 =	vand.u32 $0x7, v2;
	v2 =	vor.u32 $0x8, v2;
	v1 =	vmul.u32 $0x8, v1;
	s22 =	simm.s32 $0x15C00;
	s25 =	simm.s32 $0x16C00;
	s26 =	simm.s32 $0x17400  }
.LBB2_1:
0x16: {  	s21 =	rddreg [dreg:$0x4];
	s2 =	simm.s32 $0x7  }
0x17: {  	[tilespmem:s3], [sflag:$0x7] =	stream.linear.gather [hbm4b:s21+s3], $0x400, $0x38;
	[tilespmem:$0x18400] =	vst v63  }
0x18: {  	_ =	swait.ge [sflag:s2], $0x400  }
0x19: {  	[sflag:s2] =	ssyncset.done $0x0  }
0x1a: {  	[sflag:s2] =	ssyncadd.s32 $0xFFFFFC00  }
0x1b: {  	v3 =	vld [tilespmem:$0x0];
	_ =	sdelay $0x4  }
0x1c: {  	v4 =	vshll.u32 v3, $0x2  }
0x1d: {  	v3 =	vand.u32 $0x7, v3;
	v4 =	vand.u32 $0xFFFFFFE0, v4  }
0x1e: {  	v3 =	vor.u32 v3, v4  }
0x1f: {  	v4 =	vperm.xlane v3, v0;
	_ =	sdelay $0x1  }
0x20: {  	v4 =	vadd.s32 v1, v4;
	_ =	sdelay $0x1  }
0x21: {  	v3 =	vperm.xlane v3, v2;
	_ =	sdelay $0x1  }
0x22: {  	v3 =	vadd.s32 v1, v3  }
0x23: {  	[tilespmem:s24], [sflag:$0x1] =	stream.indirect_vreg.gather [hbm4b:s1+s3], $0x80, v4, vm0, $0xb8;
	[tilespmem:$0x18400] =	vst v63  }
0x24: {  	s0 =	simm.s32 $0xC00  }
0x25: {  	[tilespmem:s0], [sflag:$0x1] =	stream.indirect_vreg.gather [hbm4b:s5+s3], $0x80, v4, vm0, $0xb8;
	[tilespmem:$0x18400] =	vst v63  }
0x26: {  	s21 =	simm.s32 $0x1400  }
0x27: {  	[tilespmem:s21], [sflag:$0x1] =	stream.indirect_vreg.gather [hbm4b:s1+s3], $0x80, v3, vm0, $0xb8;
	[tilespmem:$0x18400] =	vst v63  }
0x28: {  	s2 =	simm.s32 $0x1C00  }
0x29: {  	[tilespmem:s2], [sflag:$0x1] =	stream.indirect_vreg.gather [hbm4b:s5+s3], $0x80, v3, vm0, $0xb8;
	[tilespmem:$0x18400] =	vst v63  }
0x2a: {  	v3 =	vld [tilespmem:$0x10];
	_ =	sdelay $0x4  }
0x2b: {  	v33 =	vshll.u32 v3, $0x2  }
0x2c: {  	v3 =	vand.u32 $0x7, v3;
	v4 =	vand.u32 $0xFFFFFFE0, v33  }
0x2d: {  	v3 =	vor.u32 v3, v4  }
0x2e: {  	v4 =	vperm.xlane v3, v0;
	_ =	sdelay $0x1  }
0x2f: {  	v4 =	vadd.s32 v1, v4;
	_ =	sdelay $0x1  }
0x30: {  	v3 =	vperm.xlane v3, v2;
	_ =	sdelay $0x1  }
0x31: {  	s21 =	simm.s32 $0x2400;
	v3 =	vadd.s32 v1, v3  }
0x32: {  	[tilespmem:s21], [sflag:$0x1] =	stream.indirect_vreg.gather [hbm4b:s1+s3], $0x80, v4, vm0, $0xb8;
	[tilespmem:$0x18400] =	vst v63  }
0x33: {  	s2 =	simm.s32 $0x2C00  }
0x34: {  	[tilespmem:s2], [sflag:$0x1] =	stream.indirect_vreg.gather [hbm4b:s5+s3], $0x80, v4, vm0, $0xb8;
	[tilespmem:$0x18400] =	vst v63  }
0x35: {  	s21 =	simm.s32 $0x3400  }
0x36: {  	[tilespmem:s21], [sflag:$0x1] =	stream.indirect_vreg.gather [hbm4b:s1+s3], $0x80, v3, vm0, $0xb8;
	[tilespmem:$0x18400] =	vst v63  }
0x37: {  	_ = 	snop  }
0x38: {  	[tilespmem:s30], [sflag:$0x1] =	stream.indirect_vreg.gather [hbm4b:s5+s3], $0x80, v3, vm0, $0xb8;
	[tilespmem:$0x18400] =	vst v63  }
0x39: {  	v3 =	vld [tilespmem:$0x20];
	_ =	sdelay $0x4  }
0x3a: {  	v34 =	vshll.u32 v3, $0x2  }
0x3b: {  	v3 =	vand.u32 $0x7, v3;
	v4 =	vand.u32 $0xFFFFFFE0, v34  }
0x3c: {  	v3 =	vor.u32 v3, v4  }
0x3d: {  	v4 =	vperm.xlane v3, v0;
	_ =	sdelay $0x1  }
0x3e: {  	v4 =	vadd.s32 v1, v4;
	_ =	sdelay $0x1  }
0x3f: {  	v3 =	vperm.xlane v3, v2;
	_ =	sdelay $0x1  }
0x40: {  	v3 =	vadd.s32 v1, v3  }
0x41: {  	[tilespmem:s31], [sflag:$0x1] =	stream.indirect_vreg.gather [hbm4b:s1+s3], $0x80, v4, vm0, $0xb8;
	[tilespmem:$0x18400] =	vst v63  }
0x42: {  	s2 =	simm.s32 $0x4C00  }
0x43: {  	[tilespmem:s2], [sflag:$0x1] =	stream.indirect_vreg.gather [hbm4b:s5+s3], $0x80, v4, vm0, $0xb8;
	[tilespmem:$0x18400] =	vst v63  }
0x44: {  	s21 =	simm.s32 $0x5400  }
0x45: {  	[tilespmem:s21], [sflag:$0x1] =	stream.indirect_vreg.gather [hbm4b:s1+s3], $0x80, v3, vm0, $0xb8;
	[tilespmem:$0x18400] =	vst v63  }
0x46: {  	s2 =	simm.s32 $0x5C00  }
0x47: {  	[tilespmem:s2], [sflag:$0x1] =	stream.indirect_vreg.gather [hbm4b:s5+s3], $0x80, v3, vm0, $0xb8;
	[tilespmem:$0x18400] =	vst v63  }
0x48: {  	v3 =	vld [tilespmem:$0x30];
	_ =	sdelay $0x4  }
0x49: {  	v35 =	vshll.u32 v3, $0x2  }
0x4a: {  	v3 =	vand.u32 $0x7, v3;
	v4 =	vand.u32 $0xFFFFFFE0, v35  }
0x4b: {  	v3 =	vor.u32 v3, v4  }
0x4c: {  	v4 =	vperm.xlane v3, v0;
	_ =	sdelay $0x1  }
0x4d: {  	v4 =	vadd.s32 v1, v4;
	_ =	sdelay $0x1  }
0x4e: {  	v3 =	vperm.xlane v3, v2;
	_ =	sdelay $0x1  }
0x4f: {  	s21 =	simm.s32 $0x6400;
	v3 =	vadd.s32 v1, v3  }
0x50: {  	[tilespmem:s21], [sflag:$0x1] =	stream.indirect_vreg.gather [hbm4b:s1+s3], $0x80, v4, vm0, $0xb8;
	[tilespmem:$0x18400] =	vst v63  }
0x51: {  	s2 =	simm.s32 $0x6C00  }
0x52: {  	[tilespmem:s2], [sflag:$0x1] =	stream.indirect_vreg.gather [hbm4b:s5+s3], $0x80, v4, vm0, $0xb8;
	[tilespmem:$0x18400] =	vst v63  }
0x53: {  	s21 =	simm.s32 $0x7400  }
0x54: {  	[tilespmem:s21], [sflag:$0x1] =	stream.indirect_vreg.gather [hbm4b:s1+s3], $0x80, v3, vm0, $0xb8;
	[tilespmem:$0x18400] =	vst v63  }
0x55: {  	s2 =	simm.s32 $0x7C00  }
0x56: {  	[tilespmem:s2], [sflag:$0x1] =	stream.indirect_vreg.gather [hbm4b:s5+s3], $0x80, v3, vm0, $0xb8;
	[tilespmem:$0x18400] =	vst v63  }
0x57: {  	v3 =	vld [tilespmem:$0x80];
	_ =	sdelay $0x4  }
0x58: {  	v36 =	vshll.u32 v3, $0x2  }
0x59: {  	v3 =	vand.u32 $0x7, v3;
	v4 =	vand.u32 $0xFFFFFFE0, v36  }
0x5a: {  	v3 =	vor.u32 v3, v4  }
0x5b: {  	v4 =	vperm.xlane v3, v0;
	_ =	sdelay $0x1  }
0x5c: {  	v4 =	vadd.s32 v1, v4;
	_ =	sdelay $0x1  }
0x5d: {  	v3 =	vperm.xlane v3, v2;
	_ =	sdelay $0x1  }
0x5e: {  	s0 =	simm.s32 $0x8400;
	v3 =	vadd.s32 v1, v3  }
0x5f: {  	[tilespmem:s0], [sflag:$0x2] =	stream.indirect_vreg.gather [hbm4b:s1+s3], $0x80, v4, vm0, $0xb8;
	[tilespmem:$0x18400] =	vst v63  }
0x60: {  	s2 =	simm.s32 $0x8C00  }
0x61: {  	[tilespmem:s2], [sflag:$0x2] =	stream.indirect_vreg.gather [hbm4b:s5+s3], $0x80, v4, vm0, $0xb8;
	[tilespmem:$0x18400] =	vst v63  }
0x62: {  	s21 =	simm.s32 $0x9400  }
0x63: {  	[tilespmem:s21], [sflag:$0x2] =	stream.indirect_vreg.gather [hbm4b:s1+s3], $0x80, v3, vm0, $0xb8;
	[tilespmem:$0x18400] =	vst v63  }
0x64: {  	s21 =	simm.s32 $0x9C00  }
0x65: {  	[tilespmem:s21], [sflag:$0x2] =	stream.indirect_vreg.gather [hbm4b:s5+s3], $0x80, v3, vm0, $0xb8;
	[tilespmem:$0x18400] =	vst v63  }
0x66: {  	v3 =	vld [tilespmem:$0x90];
	_ =	sdelay $0x4  }
0x67: {  	v37 =	vshll.u32 v3, $0x2  }
0x68: {  	v3 =	vand.u32 $0x7, v3;
	v4 =	vand.u32 $0xFFFFFFE0, v37  }
0x69: {  	v3 =	vor.u32 v3, v4  }
0x6a: {  	v4 =	vperm.xlane v3, v0;
	_ =	sdelay $0x1  }
0x6b: {  	v4 =	vadd.s32 v1, v4;
	_ =	sdelay $0x1  }
0x6c: {  	v3 =	vperm.xlane v3, v2;
	_ =	sdelay $0x1  }
0x6d: {  	s21 =	simm.s32 $0xA400;
	v3 =	vadd.s32 v1, v3  }
0x6e: {  	[tilespmem:s21], [sflag:$0x2] =	stream.indirect_vreg.gather [hbm4b:s1+s3], $0x80, v4, vm0, $0xb8;
	[tilespmem:$0x18400] =	vst v63  }
0x6f: {  	s21 =	simm.s32 $0xAC00  }
0x70: {  	[tilespmem:s21], [sflag:$0x2] =	stream.indirect_vreg.gather [hbm4b:s5+s3], $0x80, v4, vm0, $0xb8;
	[tilespmem:$0x18400] =	vst v63  }
0x71: {  	s21 =	simm.s32 $0xB400  }
0x72: {  	[tilespmem:s21], [sflag:$0x2] =	stream.indirect_vreg.gather [hbm4b:s1+s3], $0x80, v3, vm0, $0xb8;
	[tilespmem:$0x18400] =	vst v63  }
0x73: {  	s21 =	simm.s32 $0xBC00  }
0x74: {  	[tilespmem:s21], [sflag:$0x2] =	stream.indirect_vreg.gather [hbm4b:s5+s3], $0x80, v3, vm0, $0xb8;
	[tilespmem:$0x18400] =	vst v63  }
0x75: {  	v3 =	vld [tilespmem:$0xA0];
	_ =	sdelay $0x4  }
0x76: {  	v38 =	vshll.u32 v3, $0x2  }
0x77: {  	v3 =	vand.u32 $0x7, v3;
	v4 =	vand.u32 $0xFFFFFFE0, v38  }
0x78: {  	v3 =	vor.u32 v3, v4  }
0x79: {  	v4 =	vperm.xlane v3, v0;
	_ =	sdelay $0x1  }
0x7a: {  	v4 =	vadd.s32 v1, v4;
	_ =	sdelay $0x1  }
0x7b: {  	v3 =	vperm.xlane v3, v2;
	_ =	sdelay $0x1  }
0x7c: {  	s21 =	simm.s32 $0xC400;
	v3 =	vadd.s32 v1, v3  }
0x7d: {  	[tilespmem:s21], [sflag:$0x2] =	stream.indirect_vreg.gather [hbm4b:s1+s3], $0x80, v4, vm0, $0xb8;
	[tilespmem:$0x18400] =	vst v63  }
0x7e: {  	s21 =	simm.s32 $0xCC00  }
0x7f: {  	[tilespmem:s21], [sflag:$0x2] =	stream.indirect_vreg.gather [hbm4b:s5+s3], $0x80, v4, vm0, $0xb8;
	[tilespmem:$0x18400] =	vst v63  }
0x80: {  	s21 =	simm.s32 $0xD400  }
0x81: {  	[tilespmem:s21], [sflag:$0x2] =	stream.indirect_vreg.gather [hbm4b:s1+s3], $0x80, v3, vm0, $0xb8;
	[tilespmem:$0x18400] =	vst v63  }
0x82: {  	s21 =	simm.s32 $0xDC00  }
0x83: {  	[tilespmem:s21], [sflag:$0x2] =	stream.indirect_vreg.gather [hbm4b:s5+s3], $0x80, v3, vm0, $0xb8;
	[tilespmem:$0x18400] =	vst v63  }
0x84: {  	v3 =	vld [tilespmem:$0xB0];
	_ =	sdelay $0x4  }
0x85: {  	v39 =	vshll.u32 v3, $0x2  }
0x86: {  	v3 =	vand.u32 $0x7, v3;
	v4 =	vand.u32 $0xFFFFFFE0, v39  }
0x87: {  	v3 =	vor.u32 v3, v4  }
0x88: {  	v4 =	vperm.xlane v3, v0;
	_ =	sdelay $0x1  }
0x89: {  	v4 =	vadd.s32 v1, v4;
	_ =	sdelay $0x1  }
0x8a: {  	v3 =	vperm.xlane v3, v2;
	_ =	sdelay $0x1  }
0x8b: {  	s21 =	simm.s32 $0xE400;
	v3 =	vadd.s32 v1, v3  }
0x8c: {  	[tilespmem:s21], [sflag:$0x2] =	stream.indirect_vreg.gather [hbm4b:s1+s3], $0x80, v4, vm0, $0xb8;
	[tilespmem:$0x18400] =	vst v63  }
0x8d: {  	s21 =	simm.s32 $0xEC00  }
0x8e: {  	[tilespmem:s21], [sflag:$0x2] =	stream.indirect_vreg.gather [hbm4b:s5+s3], $0x80, v4, vm0, $0xb8;
	[tilespmem:$0x18400] =	vst v63  }
0x8f: {  	s21 =	simm.s32 $0xF400  }
0x90: {  	[tilespmem:s21], [sflag:$0x2] =	stream.indirect_vreg.gather [hbm4b:s1+s3], $0x80, v3, vm0, $0xb8;
	[tilespmem:$0x18400] =	vst v63  }
0x91: {  	s21 =	simm.s32 $0xFC00  }
0x92: {  	[tilespmem:s21], [sflag:$0x2] =	stream.indirect_vreg.gather [hbm4b:s5+s3], $0x80, v3, vm0, $0xb8;
	[tilespmem:$0x18400] =	vst v63  }
0x93: {  	v3 =	vld [tilespmem:$0x100];
	_ =	sdelay $0x4  }
0x94: {  	v40 =	vshll.u32 v3, $0x2  }
0x95: {  	v3 =	vand.u32 $0x7, v3;
	v4 =	vand.u32 $0xFFFFFFE0, v40  }
0x96: {  	v3 =	vor.u32 v3, v4  }
0x97: {  	v4 =	vperm.xlane v3, v0;
	_ =	sdelay $0x1  }
0x98: {  	v4 =	vadd.s32 v1, v4;
	_ =	sdelay $0x1  }
0x99: {  	v3 =	vperm.xlane v3, v2;
	_ =	sdelay $0x1  }
0x9a: {  	v3 =	vadd.s32 v1, v3  }
0x9b: {  	[tilespmem:s8], [sflag:$0x3] =	stream.indirect_vreg.gather [hbm4b:s1+s3], $0x80, v4, vm0, $0xb8;
	[tilespmem:$0x18400] =	vst v63  }
0x9c: {  	_ = 	snop  }
0x9d: {  	[tilespmem:s12], [sflag:$0x3] =	stream.indirect_vreg.gather [hbm4b:s5+s3], $0x80, v4, vm0, $0xb8;
	[tilespmem:$0x18400] =	vst v63  }
0x9e: {  	_ = 	snop  }
0x9f: {  	[tilespmem:s13], [sflag:$0x3] =	stream.indirect_vreg.gather [hbm4b:s1+s3], $0x80, v3, vm0, $0xb8;
	[tilespmem:$0x18400] =	vst v63  }
0xa0: {  	_ = 	snop  }
0xa1: {  	[tilespmem:s14], [sflag:$0x3] =	stream.indirect_vreg.gather [hbm4b:s5+s3], $0x80, v3, vm0, $0xb8;
	[tilespmem:$0x18400] =	vst v63  }
0xa2: {  	v3 =	vld [tilespmem:$0x110];
	_ =	sdelay $0x4  }
0xa3: {  	v41 =	vshll.u32 v3, $0x2  }
0xa4: {  	v3 =	vand.u32 $0x7, v3;
	v4 =	vand.u32 $0xFFFFFFE0, v41  }
0xa5: {  	v3 =	vor.u32 v3, v4  }
0xa6: {  	v4 =	vperm.xlane v3, v0;
	_ =	sdelay $0x1  }
0xa7: {  	v4 =	vadd.s32 v1, v4;
	_ =	sdelay $0x1  }
0xa8: {  	v3 =	vperm.xlane v3, v2;
	_ =	sdelay $0x1  }
0xa9: {  	s2 =	simm.s32 $0x12400;
	v3 =	vadd.s32 v1, v3  }
0xaa: {  	[tilespmem:s2], [sflag:$0x3] =	stream.indirect_vreg.gather [hbm4b:s1+s3], $0x80, v4, vm0, $0xb8;
	[tilespmem:$0x18400] =	vst v63  }
0xab: {  	_ = 	snop  }
0xac: {  	[tilespmem:s4], [sflag:$0x3] =	stream.indirect_vreg.gather [hbm4b:s5+s3], $0x80, v4, vm0, $0xb8;
	[tilespmem:$0x18400] =	vst v63  }
0xad: {  	_ = 	snop  }
0xae: {  	[tilespmem:s7], [sflag:$0x3] =	stream.indirect_vreg.gather [hbm4b:s1+s3], $0x80, v3, vm0, $0xb8;
	[tilespmem:$0x18400] =	vst v63  }
0xaf: {  	_ = 	snop  }
0xb0: {  	[tilespmem:s19], [sflag:$0x3] =	stream.indirect_vreg.gather [hbm4b:s5+s3], $0x80, v3, vm0, $0xb8;
	[tilespmem:$0x18400] =	vst v63  }
0xb1: {  	v3 =	vld [tilespmem:$0x120];
	_ =	sdelay $0x4  }
0xb2: {  	v42 =	vshll.u32 v3, $0x2  }
0xb3: {  	v3 =	vand.u32 $0x7, v3;
	v4 =	vand.u32 $0xFFFFFFE0, v42  }
0xb4: {  	v3 =	vor.u32 v3, v4  }
0xb5: {  	v4 =	vperm.xlane v3, v0;
	_ =	sdelay $0x1  }
0xb6: {  	v4 =	vadd.s32 v1, v4;
	_ =	sdelay $0x1  }
0xb7: {  	v3 =	vperm.xlane v3, v2;
	_ =	sdelay $0x1  }
0xb8: {  	v3 =	vadd.s32 v1, v3  }
0xb9: {  	[tilespmem:s9], [sflag:$0x3] =	stream.indirect_vreg.gather [hbm4b:s1+s3], $0x80, v4, vm0, $0xb8;
	[tilespmem:$0x18400] =	vst v63  }
0xba: {  	_ = 	snop  }
0xbb: {  	[tilespmem:s10], [sflag:$0x3] =	stream.indirect_vreg.gather [hbm4b:s5+s3], $0x80, v4, vm0, $0xb8;
	[tilespmem:$0x18400] =	vst v63  }
0xbc: {  	_ = 	snop  }
0xbd: {  	[tilespmem:s11], [sflag:$0x3] =	stream.indirect_vreg.gather [hbm4b:s1+s3], $0x80, v3, vm0, $0xb8;
	[tilespmem:$0x18400] =	vst v63  }
0xbe: {  	_ = 	snop  }
0xbf: {  	[tilespmem:s22], [sflag:$0x3] =	stream.indirect_vreg.gather [hbm4b:s5+s3], $0x80, v3, vm0, $0xb8;
	[tilespmem:$0x18400] =	vst v63  }
0xc0: {  	v3 =	vld [tilespmem:$0x130];
	_ =	sdelay $0x4  }
0xc1: {  	v43 =	vshll.u32 v3, $0x2  }
0xc2: {  	v3 =	vand.u32 $0x7, v3;
	v4 =	vand.u32 $0xFFFFFFE0, v43  }
0xc3: {  	v3 =	vor.u32 v3, v4  }
0xc4: {  	v4 =	vperm.xlane v3, v0;
	_ =	sdelay $0x1  }
0xc5: {  	v4 =	vadd.s32 v1, v4;
	_ =	sdelay $0x1  }
0xc6: {  	v3 =	vperm.xlane v3, v2;
	_ =	sdelay $0x1  }
0xc7: {  	v3 =	vadd.s32 v1, v3  }
0xc8: {  	[tilespmem:s23], [sflag:$0x3] =	stream.indirect_vreg.gather [hbm4b:s1+s3], $0x80, v4, vm0, $0xb8;
	[tilespmem:$0x18400] =	vst v63  }
0xc9: {  	_ = 	snop  }
0xca: {  	[tilespmem:s25], [sflag:$0x3] =	stream.indirect_vreg.gather [hbm4b:s5+s3], $0x80, v4, vm0, $0xb8;
	[tilespmem:$0x18400] =	vst v63  }
0xcb: {  	_ = 	snop  }
0xcc: {  	[tilespmem:s26], [sflag:$0x3] =	stream.indirect_vreg.gather [hbm4b:s1+s3], $0x80, v3, vm0, $0xb8;
	[tilespmem:$0x18400] =	vst v63  }
0xcd: {  	_ = 	snop  }
0xce: {  	[tilespmem:s28], [sflag:$0x3] =	stream.indirect_vreg.gather [hbm4b:s5+s3], $0x80, v3, vm0, $0xb8;
	[tilespmem:$0x18400] =	vst v63  }
0xcf: {  	_ =	swait.ge [sflag:s15], $0x8000  }
0xd0: {  	[sflag:s15] =	ssyncset.done $0x0  }
0xd1: {  	s21 =	rddreg [dreg:$0xc];
	[sflag:s15] =	ssyncadd.s32 $0xFFFF8000  }
0xd2: {  	[hbm4b:s21+s3] =	stream.linear.scatter [tilespmem:s24], [sflag:$0x4], $0x8000, $0x38;
	[tilespmem:$0x18400] =	vst v63  }
0xd3: {  	_ =	swait.ge [sflag:s16], $0x8000  }
0xd4: {  	[sflag:s16] =	ssyncset.done $0x0  }
0xd5: {  	[sflag:s16] =	ssyncadd.s32 $0xFFFF8000  }
0xd6: {  	v3 =	vld [tilespmem:$0x180];
	_ =	sdelay $0x4  }
0xd7: {  	v44 =	vshll.u32 v3, $0x2  }
0xd8: {  	v3 =	vand.u32 $0x7, v3;
	v4 =	vand.u32 $0xFFFFFFE0, v44  }
0xd9: {  	v3 =	vor.u32 v3, v4  }
0xda: {  	v4 =	vperm.xlane v3, v0;
	_ =	sdelay $0x1  }
0xdb: {  	v4 =	vadd.s32 v1, v4;
	_ =	sdelay $0x1  }
0xdc: {  	v3 =	vperm.xlane v3, v2;
	_ =	sdelay $0x1  }
0xdd: {  	v3 =	vadd.s32 v1, v3  }
0xde: {  	[tilespmem:s24], [sflag:$0x1] =	stream.indirect_vreg.gather [hbm4b:s1+s3], $0x80, v4, vm0, $0xb8;
	[tilespmem:$0x18400] =	vst v63  }
0xdf: {  	s21 =	simm.s32 $0xC00  }
0xe0: {  	[tilespmem:s21], [sflag:$0x1] =	stream.indirect_vreg.gather [hbm4b:s5+s3], $0x80, v4, vm0, $0xb8;
	[tilespmem:$0x18400] =	vst v63  }
0xe1: {  	s21 =	simm.s32 $0x1400  }
0xe2: {  	[tilespmem:s21], [sflag:$0x1] =	stream.indirect_vreg.gather [hbm4b:s1+s3], $0x80, v3, vm0, $0xb8;
	[tilespmem:$0x18400] =	vst v63  }
0xe3: {  	s21 =	simm.s32 $0x1C00  }
0xe4: {  	[tilespmem:s21], [sflag:$0x1] =	stream.indirect_vreg.gather [hbm4b:s5+s3], $0x80, v3, vm0, $0xb8;
	[tilespmem:$0x18400] =	vst v63  }
0xe5: {  	v3 =	vld [tilespmem:$0x190];
	_ =	sdelay $0x4  }
0xe6: {  	v45 =	vshll.u32 v3, $0x2  }
0xe7: {  	v3 =	vand.u32 $0x7, v3;
	v4 =	vand.u32 $0xFFFFFFE0, v45  }
0xe8: {  	v3 =	vor.u32 v3, v4  }
0xe9: {  	v4 =	vperm.xlane v3, v0;
	_ =	sdelay $0x1  }
0xea: {  	v4 =	vadd.s32 v1, v4;
	_ =	sdelay $0x1  }
0xeb: {  	v3 =	vperm.xlane v3, v2;
	_ =	sdelay $0x1  }
0xec: {  	s21 =	simm.s32 $0x2400;
	v3 =	vadd.s32 v1, v3  }
0xed: {  	[tilespmem:s21], [sflag:$0x1] =	stream.indirect_vreg.gather [hbm4b:s1+s3], $0x80, v4, vm0, $0xb8;
	[tilespmem:$0x18400] =	vst v63  }
0xee: {  	s21 =	simm.s32 $0x2C00  }
0xef: {  	[tilespmem:s21], [sflag:$0x1] =	stream.indirect_vreg.gather [hbm4b:s5+s3], $0x80, v4, vm0, $0xb8;
	[tilespmem:$0x18400] =	vst v63  }
0xf0: {  	s21 =	simm.s32 $0x3400  }
0xf1: {  	[tilespmem:s21], [sflag:$0x1] =	stream.indirect_vreg.gather [hbm4b:s1+s3], $0x80, v3, vm0, $0xb8;
	[tilespmem:$0x18400] =	vst v63  }
0xf2: {  	_ = 	snop  }
0xf3: {  	[tilespmem:s30], [sflag:$0x1] =	stream.indirect_vreg.gather [hbm4b:s5+s3], $0x80, v3, vm0, $0xb8;
	[tilespmem:$0x18400] =	vst v63  }
0xf4: {  	v3 =	vld [tilespmem:$0x1A0];
	_ =	sdelay $0x4  }
0xf5: {  	v46 =	vshll.u32 v3, $0x2  }
0xf6: {  	v3 =	vand.u32 $0x7, v3;
	v4 =	vand.u32 $0xFFFFFFE0, v46  }
0xf7: {  	v3 =	vor.u32 v3, v4  }
0xf8: {  	v4 =	vperm.xlane v3, v0;
	_ =	sdelay $0x1  }
0xf9: {  	v4 =	vadd.s32 v1, v4;
	_ =	sdelay $0x1  }
0xfa: {  	v3 =	vperm.xlane v3, v2;
	_ =	sdelay $0x1  }
0xfb: {  	v3 =	vadd.s32 v1, v3  }
0xfc: {  	[tilespmem:s31], [sflag:$0x1] =	stream.indirect_vreg.gather [hbm4b:s1+s3], $0x80, v4, vm0, $0xb8;
	[tilespmem:$0x18400] =	vst v63  }
0xfd: {  	s21 =	simm.s32 $0x4C00  }
0xfe: {  	[tilespmem:s21], [sflag:$0x1] =	stream.indirect_vreg.gather [hbm4b:s5+s3], $0x80, v4, vm0, $0xb8;
	[tilespmem:$0x18400] =	vst v63  }
0xff: {  	s21 =	simm.s32 $0x5400  }
0x100: {  	[tilespmem:s21], [sflag:$0x1] =	stream.indirect_vreg.gather [hbm4b:s1+s3], $0x80, v3, vm0, $0xb8;
	[tilespmem:$0x18400] =	vst v63  }
0x101: {  	s21 =	simm.s32 $0x5C00  }
0x102: {  	[tilespmem:s21], [sflag:$0x1] =	stream.indirect_vreg.gather [hbm4b:s5+s3], $0x80, v3, vm0, $0xb8;
	[tilespmem:$0x18400] =	vst v63  }
0x103: {  	v3 =	vld [tilespmem:$0x1B0];
	_ =	sdelay $0x4  }
0x104: {  	v47 =	vshll.u32 v3, $0x2  }
0x105: {  	v3 =	vand.u32 $0x7, v3;
	v4 =	vand.u32 $0xFFFFFFE0, v47  }
0x106: {  	v3 =	vor.u32 v3, v4  }
0x107: {  	v4 =	vperm.xlane v3, v0;
	_ =	sdelay $0x1  }
0x108: {  	v4 =	vadd.s32 v1, v4;
	_ =	sdelay $0x1  }
0x109: {  	v3 =	vperm.xlane v3, v2;
	_ =	sdelay $0x1  }
0x10a: {  	s21 =	simm.s32 $0x6400;
	v3 =	vadd.s32 v1, v3  }
0x10b: {  	[tilespmem:s21], [sflag:$0x1] =	stream.indirect_vreg.gather [hbm4b:s1+s3], $0x80, v4, vm0, $0xb8;
	[tilespmem:$0x18400] =	vst v63  }
0x10c: {  	s21 =	simm.s32 $0x6C00  }
0x10d: {  	[tilespmem:s21], [sflag:$0x1] =	stream.indirect_vreg.gather [hbm4b:s5+s3], $0x80, v4, vm0, $0xb8;
	[tilespmem:$0x18400] =	vst v63  }
0x10e: {  	s21 =	simm.s32 $0x7400  }
0x10f: {  	[tilespmem:s21], [sflag:$0x1] =	stream.indirect_vreg.gather [hbm4b:s1+s3], $0x80, v3, vm0, $0xb8;
	[tilespmem:$0x18400] =	vst v63  }
0x110: {  	s21 =	simm.s32 $0x7C00  }
0x111: {  	[tilespmem:s21], [sflag:$0x1] =	stream.indirect_vreg.gather [hbm4b:s5+s3], $0x80, v3, vm0, $0xb8;
	[tilespmem:$0x18400] =	vst v63  }
0x112: {  	_ =	swait.ge [sflag:s17], $0x8000  }
0x113: {  	[sflag:s17] =	ssyncset.done $0x0  }
0x114: {  	s21 =	rddreg [dreg:$0x5];
	[sflag:s17] =	ssyncadd.s32 $0xFFFF8000  }
0x115: {  	[hbm4b:s21+s3] =	stream.linear.scatter [tilespmem:s0], [sflag:$0x5], $0x8000, $0x38;
	[tilespmem:$0x18400] =	vst v63  }
0x116: {  	_ =	swait.ge [sflag:s18], $0x8000  }
0x117: {  	[sflag:s18] =	ssyncset.done $0x0  }
0x118: {  	[sflag:s18] =	ssyncadd.s32 $0xFFFF8000  }
0x119: {  	v3 =	vld [tilespmem:$0x200];
	_ =	sdelay $0x4  }
0x11a: {  	v48 =	vshll.u32 v3, $0x2  }
0x11b: {  	v3 =	vand.u32 $0x7, v3;
	v4 =	vand.u32 $0xFFFFFFE0, v48  }
0x11c: {  	v3 =	vor.u32 v3, v4  }
0x11d: {  	v4 =	vperm.xlane v3, v0;
	_ =	sdelay $0x1  }
0x11e: {  	v4 =	vadd.s32 v1, v4;
	_ =	sdelay $0x1  }
0x11f: {  	v3 =	vperm.xlane v3, v2;
	_ =	sdelay $0x1  }
0x120: {  	v3 =	vadd.s32 v1, v3  }
0x121: {  	[tilespmem:s0], [sflag:$0x2] =	stream.indirect_vreg.gather [hbm4b:s1+s3], $0x80, v4, vm0, $0xb8;
	[tilespmem:$0x18400] =	vst v63  }
0x122: {  	s21 =	simm.s32 $0x8C00  }
0x123: {  	[tilespmem:s21], [sflag:$0x2] =	stream.indirect_vreg.gather [hbm4b:s5+s3], $0x80, v4, vm0, $0xb8;
	[tilespmem:$0x18400] =	vst v63  }
0x124: {  	s21 =	simm.s32 $0x9400  }
0x125: {  	[tilespmem:s21], [sflag:$0x2] =	stream.indirect_vreg.gather [hbm4b:s1+s3], $0x80, v3, vm0, $0xb8;
	[tilespmem:$0x18400] =	vst v63  }
0x126: {  	s21 =	simm.s32 $0x9C00  }
0x127: {  	[tilespmem:s21], [sflag:$0x2] =	stream.indirect_vreg.gather [hbm4b:s5+s3], $0x80, v3, vm0, $0xb8;
	[tilespmem:$0x18400] =	vst v63  }
0x128: {  	v3 =	vld [tilespmem:$0x210];
	_ =	sdelay $0x4  }
0x129: {  	v49 =	vshll.u32 v3, $0x2  }
0x12a: {  	v3 =	vand.u32 $0x7, v3;
	v4 =	vand.u32 $0xFFFFFFE0, v49  }
0x12b: {  	v3 =	vor.u32 v3, v4  }
0x12c: {  	v4 =	vperm.xlane v3, v0;
	_ =	sdelay $0x1  }
0x12d: {  	v4 =	vadd.s32 v1, v4;
	_ =	sdelay $0x1  }
0x12e: {  	v3 =	vperm.xlane v3, v2;
	_ =	sdelay $0x1  }
0x12f: {  	s21 =	simm.s32 $0xA400;
	v3 =	vadd.s32 v1, v3  }
0x130: {  	[tilespmem:s21], [sflag:$0x2] =	stream.indirect_vreg.gather [hbm4b:s1+s3], $0x80, v4, vm0, $0xb8;
	[tilespmem:$0x18400] =	vst v63  }
0x131: {  	s21 =	simm.s32 $0xAC00  }
0x132: {  	[tilespmem:s21], [sflag:$0x2] =	stream.indirect_vreg.gather [hbm4b:s5+s3], $0x80, v4, vm0, $0xb8;
	[tilespmem:$0x18400] =	vst v63  }
0x133: {  	s21 =	simm.s32 $0xB400  }
0x134: {  	[tilespmem:s21], [sflag:$0x2] =	stream.indirect_vreg.gather [hbm4b:s1+s3], $0x80, v3, vm0, $0xb8;
	[tilespmem:$0x18400] =	vst v63  }
0x135: {  	s21 =	simm.s32 $0xBC00  }
0x136: {  	[tilespmem:s21], [sflag:$0x2] =	stream.indirect_vreg.gather [hbm4b:s5+s3], $0x80, v3, vm0, $0xb8;
	[tilespmem:$0x18400] =	vst v63  }
0x137: {  	v3 =	vld [tilespmem:$0x220];
	_ =	sdelay $0x4  }
0x138: {  	v50 =	vshll.u32 v3, $0x2  }
0x139: {  	v3 =	vand.u32 $0x7, v3;
	v4 =	vand.u32 $0xFFFFFFE0, v50  }
0x13a: {  	v3 =	vor.u32 v3, v4  }
0x13b: {  	v4 =	vperm.xlane v3, v0;
	_ =	sdelay $0x1  }
0x13c: {  	v4 =	vadd.s32 v1, v4;
	_ =	sdelay $0x1  }
0x13d: {  	v3 =	vperm.xlane v3, v2;
	_ =	sdelay $0x1  }
0x13e: {  	s21 =	simm.s32 $0xC400;
	v3 =	vadd.s32 v1, v3  }
0x13f: {  	[tilespmem:s21], [sflag:$0x2] =	stream.indirect_vreg.gather [hbm4b:s1+s3], $0x80, v4, vm0, $0xb8;
	[tilespmem:$0x18400] =	vst v63  }
0x140: {  	s21 =	simm.s32 $0xCC00  }
0x141: {  	[tilespmem:s21], [sflag:$0x2] =	stream.indirect_vreg.gather [hbm4b:s5+s3], $0x80, v4, vm0, $0xb8;
	[tilespmem:$0x18400] =	vst v63  }
0x142: {  	s21 =	simm.s32 $0xD400  }
0x143: {  	[tilespmem:s21], [sflag:$0x2] =	stream.indirect_vreg.gather [hbm4b:s1+s3], $0x80, v3, vm0, $0xb8;
	[tilespmem:$0x18400] =	vst v63  }
0x144: {  	s21 =	simm.s32 $0xDC00  }
0x145: {  	[tilespmem:s21], [sflag:$0x2] =	stream.indirect_vreg.gather [hbm4b:s5+s3], $0x80, v3, vm0, $0xb8;
	[tilespmem:$0x18400] =	vst v63  }
0x146: {  	v3 =	vld [tilespmem:$0x230];
	_ =	sdelay $0x4  }
0x147: {  	v51 =	vshll.u32 v3, $0x2  }
0x148: {  	v3 =	vand.u32 $0x7, v3;
	v4 =	vand.u32 $0xFFFFFFE0, v51  }
0x149: {  	v3 =	vor.u32 v3, v4  }
0x14a: {  	v4 =	vperm.xlane v3, v0;
	_ =	sdelay $0x1  }
0x14b: {  	v4 =	vadd.s32 v1, v4;
	_ =	sdelay $0x1  }
0x14c: {  	v3 =	vperm.xlane v3, v2;
	_ =	sdelay $0x1  }
0x14d: {  	s21 =	simm.s32 $0xE400;
	v3 =	vadd.s32 v1, v3  }
0x14e: {  	[tilespmem:s21], [sflag:$0x2] =	stream.indirect_vreg.gather [hbm4b:s1+s3], $0x80, v4, vm0, $0xb8;
	[tilespmem:$0x18400] =	vst v63  }
0x14f: {  	s21 =	simm.s32 $0xEC00  }
0x150: {  	[tilespmem:s21], [sflag:$0x2] =	stream.indirect_vreg.gather [hbm4b:s5+s3], $0x80, v4, vm0, $0xb8;
	[tilespmem:$0x18400] =	vst v63  }
0x151: {  	s21 =	simm.s32 $0xF400  }
0x152: {  	[tilespmem:s21], [sflag:$0x2] =	stream.indirect_vreg.gather [hbm4b:s1+s3], $0x80, v3, vm0, $0xb8;
	[tilespmem:$0x18400] =	vst v63  }
0x153: {  	s21 =	simm.s32 $0xFC00  }
0x154: {  	[tilespmem:s21], [sflag:$0x2] =	stream.indirect_vreg.gather [hbm4b:s5+s3], $0x80, v3, vm0, $0xb8;
	[tilespmem:$0x18400] =	vst v63  }
0x155: {  	_ =	swait.ge [sflag:s29], $0x8000  }
0x156: {  	[sflag:s29] =	ssyncset.done $0x0  }
0x157: {  	s21 =	rddreg [dreg:$0x6];
	[sflag:s29] =	ssyncadd.s32 $0xFFFF8000  }
0x158: {  	[hbm4b:s21+s3] =	stream.linear.scatter [tilespmem:s8], [sflag:$0x6], $0x8000, $0x38;
	[tilespmem:$0x18400] =	vst v63  }
0x159: {  	_ =	swait.ge [sflag:s20], $0x8000  }
0x15a: {  	[sflag:s20] =	ssyncset.done $0x0  }
0x15b: {  	[sflag:s20] =	ssyncadd.s32 $0xFFFF8000  }
0x15c: {  	v3 =	vld [tilespmem:$0x280];
	_ =	sdelay $0x4  }
0x15d: {  	v52 =	vshll.u32 v3, $0x2  }
0x15e: {  	v3 =	vand.u32 $0x7, v3;
	v4 =	vand.u32 $0xFFFFFFE0, v52  }
0x15f: {  	v3 =	vor.u32 v3, v4  }
0x160: {  	v4 =	vperm.xlane v3, v0;
	_ =	sdelay $0x1  }
0x161: {  	v4 =	vadd.s32 v1, v4;
	_ =	sdelay $0x1  }
0x162: {  	v3 =	vperm.xlane v3, v2;
	_ =	sdelay $0x1  }
0x163: {  	v3 =	vadd.s32 v1, v3  }
0x164: {  	[tilespmem:s8], [sflag:$0x3] =	stream.indirect_vreg.gather [hbm4b:s1+s3], $0x80, v4, vm0, $0xb8;
	[tilespmem:$0x18400] =	vst v63  }
0x165: {  	_ = 	snop  }
0x166: {  	[tilespmem:s12], [sflag:$0x3] =	stream.indirect_vreg.gather [hbm4b:s5+s3], $0x80, v4, vm0, $0xb8;
	[tilespmem:$0x18400] =	vst v63  }
0x167: {  	_ = 	snop  }
0x168: {  	[tilespmem:s13], [sflag:$0x3] =	stream.indirect_vreg.gather [hbm4b:s1+s3], $0x80, v3, vm0, $0xb8;
	[tilespmem:$0x18400] =	vst v63  }
0x169: {  	_ = 	snop  }
0x16a: {  	[tilespmem:s14], [sflag:$0x3] =	stream.indirect_vreg.gather [hbm4b:s5+s3], $0x80, v3, vm0, $0xb8;
	[tilespmem:$0x18400] =	vst v63  }
0x16b: {  	v3 =	vld [tilespmem:$0x290];
	_ =	sdelay $0x4  }
0x16c: {  	v53 =	vshll.u32 v3, $0x2  }
0x16d: {  	v3 =	vand.u32 $0x7, v3;
	v4 =	vand.u32 $0xFFFFFFE0, v53  }
0x16e: {  	v3 =	vor.u32 v3, v4  }
0x16f: {  	v4 =	vperm.xlane v3, v0;
	_ =	sdelay $0x1  }
0x170: {  	v4 =	vadd.s32 v1, v4;
	_ =	sdelay $0x1  }
0x171: {  	v3 =	vperm.xlane v3, v2;
	_ =	sdelay $0x1  }
0x172: {  	v3 =	vadd.s32 v1, v3  }
0x173: {  	[tilespmem:s2], [sflag:$0x3] =	stream.indirect_vreg.gather [hbm4b:s1+s3], $0x80, v4, vm0, $0xb8;
	[tilespmem:$0x18400] =	vst v63  }
0x174: {  	_ = 	snop  }
0x175: {  	[tilespmem:s4], [sflag:$0x3] =	stream.indirect_vreg.gather [hbm4b:s5+s3], $0x80, v4, vm0, $0xb8;
	[tilespmem:$0x18400] =	vst v63  }
0x176: {  	_ = 	snop  }
0x177: {  	[tilespmem:s7], [sflag:$0x3] =	stream.indirect_vreg.gather [hbm4b:s1+s3], $0x80, v3, vm0, $0xb8;
	[tilespmem:$0x18400] =	vst v63  }
0x178: {  	_ = 	snop  }
0x179: {  	[tilespmem:s19], [sflag:$0x3] =	stream.indirect_vreg.gather [hbm4b:s5+s3], $0x80, v3, vm0, $0xb8;
	[tilespmem:$0x18400] =	vst v63  }
0x17a: {  	v3 =	vld [tilespmem:$0x2A0];
	_ =	sdelay $0x4  }
0x17b: {  	v54 =	vshll.u32 v3, $0x2  }
0x17c: {  	v3 =	vand.u32 $0x7, v3;
	v4 =	vand.u32 $0xFFFFFFE0, v54  }
0x17d: {  	v3 =	vor.u32 v3, v4  }
0x17e: {  	v4 =	vperm.xlane v3, v0;
	_ =	sdelay $0x1  }
0x17f: {  	v4 =	vadd.s32 v1, v4;
	_ =	sdelay $0x1  }
0x180: {  	v3 =	vperm.xlane v3, v2;
	_ =	sdelay $0x1  }
0x181: {  	v3 =	vadd.s32 v1, v3  }
0x182: {  	[tilespmem:s9], [sflag:$0x3] =	stream.indirect_vreg.gather [hbm4b:s1+s3], $0x80, v4, vm0, $0xb8;
	[tilespmem:$0x18400] =	vst v63  }
0x183: {  	_ = 	snop  }
0x184: {  	[tilespmem:s10], [sflag:$0x3] =	stream.indirect_vreg.gather [hbm4b:s5+s3], $0x80, v4, vm0, $0xb8;
	[tilespmem:$0x18400] =	vst v63  }
0x185: {  	_ = 	snop  }
0x186: {  	[tilespmem:s11], [sflag:$0x3] =	stream.indirect_vreg.gather [hbm4b:s1+s3], $0x80, v3, vm0, $0xb8;
	[tilespmem:$0x18400] =	vst v63  }
0x187: {  	_ = 	snop  }
0x188: {  	[tilespmem:s22], [sflag:$0x3] =	stream.indirect_vreg.gather [hbm4b:s5+s3], $0x80, v3, vm0, $0xb8;
	[tilespmem:$0x18400] =	vst v63  }
0x189: {  	v3 =	vld [tilespmem:$0x2B0];
	_ =	sdelay $0x4  }
0x18a: {  	v55 =	vshll.u32 v3, $0x2  }
0x18b: {  	v3 =	vand.u32 $0x7, v3;
	v4 =	vand.u32 $0xFFFFFFE0, v55  }
0x18c: {  	v3 =	vor.u32 v3, v4  }
0x18d: {  	v4 =	vperm.xlane v3, v0;
	_ =	sdelay $0x1  }
0x18e: {  	v4 =	vadd.s32 v1, v4;
	_ =	sdelay $0x1  }
0x18f: {  	v3 =	vperm.xlane v3, v2;
	_ =	sdelay $0x1  }
0x190: {  	v3 =	vadd.s32 v1, v3  }
0x191: {  	[tilespmem:s23], [sflag:$0x3] =	stream.indirect_vreg.gather [hbm4b:s1+s3], $0x80, v4, vm0, $0xb8;
	[tilespmem:$0x18400] =	vst v63  }
0x192: {  	_ = 	snop  }
0x193: {  	[tilespmem:s25], [sflag:$0x3] =	stream.indirect_vreg.gather [hbm4b:s5+s3], $0x80, v4, vm0, $0xb8;
	[tilespmem:$0x18400] =	vst v63  }
0x194: {  	_ = 	snop  }
0x195: {  	[tilespmem:s26], [sflag:$0x3] =	stream.indirect_vreg.gather [hbm4b:s1+s3], $0x80, v3, vm0, $0xb8;
	[tilespmem:$0x18400] =	vst v63  }
0x196: {  	_ = 	snop  }
0x197: {  	[tilespmem:s28], [sflag:$0x3] =	stream.indirect_vreg.gather [hbm4b:s5+s3], $0x80, v3, vm0, $0xb8;
	[tilespmem:$0x18400] =	vst v63  }
0x198: {  	_ =	swait.ge [sflag:s15], $0x8000  }
0x199: {  	[sflag:s15] =	ssyncset.done $0x0  }
0x19a: {  	s2 =	rddreg [dreg:$0x7];
	[sflag:s15] =	ssyncadd.s32 $0xFFFF8000  }
0x19b: {  	[hbm4b:s2+s3] =	stream.linear.scatter [tilespmem:s24], [sflag:$0x4], $0x8000, $0x38;
	[tilespmem:$0x18400] =	vst v63  }
0x19c: {  	_ =	swait.ge [sflag:s16], $0x8000  }
0x19d: {  	[sflag:s16] =	ssyncset.done $0x0  }
0x19e: {  	[sflag:s16] =	ssyncadd.s32 $0xFFFF8000  }
0x19f: {  	v3 =	vld [tilespmem:$0x300];
	_ =	sdelay $0x4  }
0x1a0: {  	v56 =	vshll.u32 v3, $0x2  }
0x1a1: {  	v3 =	vand.u32 $0x7, v3;
	v4 =	vand.u32 $0xFFFFFFE0, v56  }
0x1a2: {  	v3 =	vor.u32 v3, v4  }
0x1a3: {  	v4 =	vperm.xlane v3, v0;
	_ =	sdelay $0x1  }
0x1a4: {  	v4 =	vadd.s32 v1, v4;
	_ =	sdelay $0x1  }
0x1a5: {  	v3 =	vperm.xlane v3, v2;
	_ =	sdelay $0x1  }
0x1a6: {  	v3 =	vadd.s32 v1, v3  }
0x1a7: {  	[tilespmem:s24], [sflag:$0x1] =	stream.indirect_vreg.gather [hbm4b:s1+s3], $0x80, v4, vm0, $0xb8;
	[tilespmem:$0x18400] =	vst v63  }
0x1a8: {  	s21 =	simm.s32 $0xC00  }
0x1a9: {  	[tilespmem:s21], [sflag:$0x1] =	stream.indirect_vreg.gather [hbm4b:s5+s3], $0x80, v4, vm0, $0xb8;
	[tilespmem:$0x18400] =	vst v63  }
0x1aa: {  	s21 =	simm.s32 $0x1400  }
0x1ab: {  	[tilespmem:s21], [sflag:$0x1] =	stream.indirect_vreg.gather [hbm4b:s1+s3], $0x80, v3, vm0, $0xb8;
	[tilespmem:$0x18400] =	vst v63  }
0x1ac: {  	s21 =	simm.s32 $0x1C00  }
0x1ad: {  	[tilespmem:s21], [sflag:$0x1] =	stream.indirect_vreg.gather [hbm4b:s5+s3], $0x80, v3, vm0, $0xb8;
	[tilespmem:$0x18400] =	vst v63  }
0x1ae: {  	v3 =	vld [tilespmem:$0x310];
	_ =	sdelay $0x4  }
0x1af: {  	v57 =	vshll.u32 v3, $0x2  }
0x1b0: {  	v3 =	vand.u32 $0x7, v3;
	v4 =	vand.u32 $0xFFFFFFE0, v57  }
0x1b1: {  	v3 =	vor.u32 v3, v4  }
0x1b2: {  	v4 =	vperm.xlane v3, v0;
	_ =	sdelay $0x1  }
0x1b3: {  	v4 =	vadd.s32 v1, v4;
	_ =	sdelay $0x1  }
0x1b4: {  	v3 =	vperm.xlane v3, v2;
	_ =	sdelay $0x1  }
0x1b5: {  	s21 =	simm.s32 $0x2400;
	v3 =	vadd.s32 v1, v3  }
0x1b6: {  	[tilespmem:s21], [sflag:$0x1] =	stream.indirect_vreg.gather [hbm4b:s1+s3], $0x80, v4, vm0, $0xb8;
	[tilespmem:$0x18400] =	vst v63  }
0x1b7: {  	s21 =	simm.s32 $0x2C00  }
0x1b8: {  	[tilespmem:s21], [sflag:$0x1] =	stream.indirect_vreg.gather [hbm4b:s5+s3], $0x80, v4, vm0, $0xb8;
	[tilespmem:$0x18400] =	vst v63  }
0x1b9: {  	s21 =	simm.s32 $0x3400  }
0x1ba: {  	[tilespmem:s21], [sflag:$0x1] =	stream.indirect_vreg.gather [hbm4b:s1+s3], $0x80, v3, vm0, $0xb8;
	[tilespmem:$0x18400] =	vst v63  }
0x1bb: {  	_ = 	snop  }
0x1bc: {  	[tilespmem:s30], [sflag:$0x1] =	stream.indirect_vreg.gather [hbm4b:s5+s3], $0x80, v3, vm0, $0xb8;
	[tilespmem:$0x18400] =	vst v63  }
0x1bd: {  	v3 =	vld [tilespmem:$0x320];
	_ =	sdelay $0x4  }
0x1be: {  	v58 =	vshll.u32 v3, $0x2  }
0x1bf: {  	v3 =	vand.u32 $0x7, v3;
	v4 =	vand.u32 $0xFFFFFFE0, v58  }
0x1c0: {  	v3 =	vor.u32 v3, v4  }
0x1c1: {  	v4 =	vperm.xlane v3, v0;
	_ =	sdelay $0x1  }
0x1c2: {  	v4 =	vadd.s32 v1, v4;
	_ =	sdelay $0x1  }
0x1c3: {  	v3 =	vperm.xlane v3, v2;
	_ =	sdelay $0x1  }
0x1c4: {  	v3 =	vadd.s32 v1, v3  }
0x1c5: {  	[tilespmem:s31], [sflag:$0x1] =	stream.indirect_vreg.gather [hbm4b:s1+s3], $0x80, v4, vm0, $0xb8;
	[tilespmem:$0x18400] =	vst v63  }
0x1c6: {  	s21 =	simm.s32 $0x4C00  }
0x1c7: {  	[tilespmem:s21], [sflag:$0x1] =	stream.indirect_vreg.gather [hbm4b:s5+s3], $0x80, v4, vm0, $0xb8;
	[tilespmem:$0x18400] =	vst v63  }
0x1c8: {  	s21 =	simm.s32 $0x5400  }
0x1c9: {  	[tilespmem:s21], [sflag:$0x1] =	stream.indirect_vreg.gather [hbm4b:s1+s3], $0x80, v3, vm0, $0xb8;
	[tilespmem:$0x18400] =	vst v63  }
0x1ca: {  	s21 =	simm.s32 $0x5C00  }
0x1cb: {  	[tilespmem:s21], [sflag:$0x1] =	stream.indirect_vreg.gather [hbm4b:s5+s3], $0x80, v3, vm0, $0xb8;
	[tilespmem:$0x18400] =	vst v63  }
0x1cc: {  	v3 =	vld [tilespmem:$0x330];
	_ =	sdelay $0x4  }
0x1cd: {  	v59 =	vshll.u32 v3, $0x2  }
0x1ce: {  	v3 =	vand.u32 $0x7, v3;
	v4 =	vand.u32 $0xFFFFFFE0, v59  }
0x1cf: {  	v3 =	vor.u32 v3, v4  }
0x1d0: {  	v4 =	vperm.xlane v3, v0;
	_ =	sdelay $0x1  }
0x1d1: {  	v4 =	vadd.s32 v1, v4;
	_ =	sdelay $0x1  }
0x1d2: {  	v3 =	vperm.xlane v3, v2;
	_ =	sdelay $0x1  }
0x1d3: {  	s21 =	simm.s32 $0x6400;
	v3 =	vadd.s32 v1, v3  }
0x1d4: {  	[tilespmem:s21], [sflag:$0x1] =	stream.indirect_vreg.gather [hbm4b:s1+s3], $0x80, v4, vm0, $0xb8;
	[tilespmem:$0x18400] =	vst v63  }
0x1d5: {  	s21 =	simm.s32 $0x6C00  }
0x1d6: {  	[tilespmem:s21], [sflag:$0x1] =	stream.indirect_vreg.gather [hbm4b:s5+s3], $0x80, v4, vm0, $0xb8;
	[tilespmem:$0x18400] =	vst v63  }
0x1d7: {  	s21 =	simm.s32 $0x7400  }
0x1d8: {  	[tilespmem:s21], [sflag:$0x1] =	stream.indirect_vreg.gather [hbm4b:s1+s3], $0x80, v3, vm0, $0xb8;
	[tilespmem:$0x18400] =	vst v63  }
0x1d9: {  	s21 =	simm.s32 $0x7C00  }
0x1da: {  	[tilespmem:s21], [sflag:$0x1] =	stream.indirect_vreg.gather [hbm4b:s5+s3], $0x80, v3, vm0, $0xb8;
	[tilespmem:$0x18400] =	vst v63  }
0x1db: {  	_ =	swait.ge [sflag:s17], $0x8000  }
0x1dc: {  	[sflag:s17] =	ssyncset.done $0x0  }
0x1dd: {  	s2 =	rddreg [dreg:$0x8];
	[sflag:s17] =	ssyncadd.s32 $0xFFFF8000  }
0x1de: {  	[hbm4b:s2+s3] =	stream.linear.scatter [tilespmem:s0], [sflag:$0x5], $0x8000, $0x38;
	[tilespmem:$0x18400] =	vst v63  }
0x1df: {  	_ =	swait.ge [sflag:s18], $0x8000  }
0x1e0: {  	[sflag:s18] =	ssyncset.done $0x0  }
0x1e1: {  	[sflag:s18] =	ssyncadd.s32 $0xFFFF8000  }
0x1e2: {  	v3 =	vld [tilespmem:$0x380];
	_ =	sdelay $0x4  }
0x1e3: {  	v60 =	vshll.u32 v3, $0x2  }
0x1e4: {  	v3 =	vand.u32 $0x7, v3;
	v4 =	vand.u32 $0xFFFFFFE0, v60  }
0x1e5: {  	v3 =	vor.u32 v3, v4  }
0x1e6: {  	v4 =	vperm.xlane v3, v0;
	_ =	sdelay $0x1  }
0x1e7: {  	v4 =	vadd.s32 v1, v4;
	_ =	sdelay $0x1  }
0x1e8: {  	v3 =	vperm.xlane v3, v2;
	_ =	sdelay $0x1  }
0x1e9: {  	v3 =	vadd.s32 v1, v3  }
0x1ea: {  	[tilespmem:s0], [sflag:$0x2] =	stream.indirect_vreg.gather [hbm4b:s1+s3], $0x80, v4, vm0, $0xb8;
	[tilespmem:$0x18400] =	vst v63  }
0x1eb: {  	s21 =	simm.s32 $0x8C00  }
0x1ec: {  	[tilespmem:s21], [sflag:$0x2] =	stream.indirect_vreg.gather [hbm4b:s5+s3], $0x80, v4, vm0, $0xb8;
	[tilespmem:$0x18400] =	vst v63  }
0x1ed: {  	s21 =	simm.s32 $0x9400  }
0x1ee: {  	[tilespmem:s21], [sflag:$0x2] =	stream.indirect_vreg.gather [hbm4b:s1+s3], $0x80, v3, vm0, $0xb8;
	[tilespmem:$0x18400] =	vst v63  }
0x1ef: {  	s21 =	simm.s32 $0x9C00  }
0x1f0: {  	[tilespmem:s21], [sflag:$0x2] =	stream.indirect_vreg.gather [hbm4b:s5+s3], $0x80, v3, vm0, $0xb8;
	[tilespmem:$0x18400] =	vst v63  }
0x1f1: {  	v3 =	vld [tilespmem:$0x390];
	_ =	sdelay $0x4  }
0x1f2: {  	v61 =	vshll.u32 v3, $0x2  }
0x1f3: {  	v3 =	vand.u32 $0x7, v3;
	v4 =	vand.u32 $0xFFFFFFE0, v61  }
0x1f4: {  	v3 =	vor.u32 v3, v4  }
0x1f5: {  	v4 =	vperm.xlane v3, v0;
	_ =	sdelay $0x1  }
0x1f6: {  	v4 =	vadd.s32 v1, v4;
	_ =	sdelay $0x1  }
0x1f7: {  	v3 =	vperm.xlane v3, v2;
	_ =	sdelay $0x1  }
0x1f8: {  	s21 =	simm.s32 $0xA400;
	v3 =	vadd.s32 v1, v3  }
0x1f9: {  	[tilespmem:s21], [sflag:$0x2] =	stream.indirect_vreg.gather [hbm4b:s1+s3], $0x80, v4, vm0, $0xb8;
	[tilespmem:$0x18400] =	vst v63  }
0x1fa: {  	s21 =	simm.s32 $0xAC00  }
0x1fb: {  	[tilespmem:s21], [sflag:$0x2] =	stream.indirect_vreg.gather [hbm4b:s5+s3], $0x80, v4, vm0, $0xb8;
	[tilespmem:$0x18400] =	vst v63  }
0x1fc: {  	s21 =	simm.s32 $0xB400  }
0x1fd: {  	[tilespmem:s21], [sflag:$0x2] =	stream.indirect_vreg.gather [hbm4b:s1+s3], $0x80, v3, vm0, $0xb8;
	[tilespmem:$0x18400] =	vst v63  }
0x1fe: {  	s21 =	simm.s32 $0xBC00  }
0x1ff: {  	[tilespmem:s21], [sflag:$0x2] =	stream.indirect_vreg.gather [hbm4b:s5+s3], $0x80, v3, vm0, $0xb8;
	[tilespmem:$0x18400] =	vst v63  }
0x200: {  	v3 =	vld [tilespmem:$0x3A0];
	_ =	sdelay $0x4  }
0x201: {  	v62 =	vshll.u32 v3, $0x2  }
0x202: {  	v3 =	vand.u32 $0x7, v3;
	v4 =	vand.u32 $0xFFFFFFE0, v62  }
0x203: {  	v3 =	vor.u32 v3, v4  }
0x204: {  	v4 =	vperm.xlane v3, v0;
	_ =	sdelay $0x1  }
0x205: {  	v4 =	vadd.s32 v1, v4;
	_ =	sdelay $0x1  }
0x206: {  	v3 =	vperm.xlane v3, v2;
	_ =	sdelay $0x1  }
0x207: {  	s21 =	simm.s32 $0xC400;
	v3 =	vadd.s32 v1, v3  }
0x208: {  	[tilespmem:s21], [sflag:$0x2] =	stream.indirect_vreg.gather [hbm4b:s1+s3], $0x80, v4, vm0, $0xb8;
	[tilespmem:$0x18400] =	vst v63  }
0x209: {  	s21 =	simm.s32 $0xCC00  }
0x20a: {  	[tilespmem:s21], [sflag:$0x2] =	stream.indirect_vreg.gather [hbm4b:s5+s3], $0x80, v4, vm0, $0xb8;
	[tilespmem:$0x18400] =	vst v63  }
0x20b: {  	s21 =	simm.s32 $0xD400  }
0x20c: {  	[tilespmem:s21], [sflag:$0x2] =	stream.indirect_vreg.gather [hbm4b:s1+s3], $0x80, v3, vm0, $0xb8;
	[tilespmem:$0x18400] =	vst v63  }
0x20d: {  	s21 =	simm.s32 $0xDC00  }
0x20e: {  	[tilespmem:s21], [sflag:$0x2] =	stream.indirect_vreg.gather [hbm4b:s5+s3], $0x80, v3, vm0, $0xb8;
	[tilespmem:$0x18400] =	vst v63  }
0x20f: {  	v3 =	vld [tilespmem:$0x3B0];
	_ =	sdelay $0x4  }
0x210: {  	v63 =	vshll.u32 v3, $0x2  }
0x211: {  	v3 =	vand.u32 $0x7, v3;
	v4 =	vand.u32 $0xFFFFFFE0, v63  }
0x212: {  	v3 =	vor.u32 v3, v4  }
0x213: {  	v4 =	vperm.xlane v3, v0;
	_ =	sdelay $0x1  }
0x214: {  	v4 =	vadd.s32 v1, v4;
	_ =	sdelay $0x1  }
0x215: {  	v3 =	vperm.xlane v3, v2;
	_ =	sdelay $0x1  }
0x216: {  	s21 =	simm.s32 $0xE400;
	v3 =	vadd.s32 v1, v3  }
0x217: {  	[tilespmem:s21], [sflag:$0x2] =	stream.indirect_vreg.gather [hbm4b:s1+s3], $0x80, v4, vm0, $0xb8;
	[tilespmem:$0x18400] =	vst v63  }
0x218: {  	s21 =	simm.s32 $0xEC00  }
0x219: {  	[tilespmem:s21], [sflag:$0x2] =	stream.indirect_vreg.gather [hbm4b:s5+s3], $0x80, v4, vm0, $0xb8;
	[tilespmem:$0x18400] =	vst v63  }
0x21a: {  	s21 =	simm.s32 $0xF400  }
0x21b: {  	[tilespmem:s21], [sflag:$0x2] =	stream.indirect_vreg.gather [hbm4b:s1+s3], $0x80, v3, vm0, $0xb8;
	[tilespmem:$0x18400] =	vst v63  }
0x21c: {  	s21 =	simm.s32 $0xFC00  }
0x21d: {  	[tilespmem:s21], [sflag:$0x2] =	stream.indirect_vreg.gather [hbm4b:s5+s3], $0x80, v3, vm0, $0xb8;
	[tilespmem:$0x18400] =	vst v63  }
0x21e: {  	_ =	swait.ge [sflag:s29], $0x8000  }
0x21f: {  	[sflag:s29] =	ssyncset.done $0x0  }
0x220: {  	s2 =	rddreg [dreg:$0x9];
	[sflag:s29] =	ssyncadd.s32 $0xFFFF8000  }
0x221: {  	[hbm4b:s2+s3] =	stream.linear.scatter [tilespmem:s8], [sflag:$0x6], $0x8000, $0x38;
	[tilespmem:$0x18400] =	vst v63  }
0x222: {  	_ =	swait.ge [sflag:s15], $0x8000  }
0x223: {  	[sflag:s15] =	ssyncset.done $0x0  }
0x224: {  	s2 =	rddreg [dreg:$0xa];
	[sflag:s15] =	ssyncadd.s32 $0xFFFF8000  }
0x225: {  	[hbm4b:s2+s3] =	stream.linear.scatter [tilespmem:s24], [sflag:$0x4], $0x8000, $0x38;
	[tilespmem:$0x18400] =	vst v63  }
0x226: {  	_ =	swait.ge [sflag:s17], $0x8000  }
0x227: {  	[sflag:s17] =	ssyncset.done $0x0  }
0x228: {  	s2 =	rddreg [dreg:$0xb];
	[sflag:s17] =	ssyncadd.s32 $0xFFFF8000  }
0x229: {  	[hbm4b:s2+s3] =	stream.linear.scatter [tilespmem:s0], [sflag:$0x5], $0x8000, $0x38;
	[tilespmem:$0x18400] =	vst v63  }
0x22a: {  	_ =	swait.ge [sflag:s20], $0x8000  }
0x22b: {  	[sflag:s20] =	ssyncset.done $0x0  }
0x22c: {  	[sflag:s20] =	ssyncadd.s32 $0xFFFF8000  }
0x22d: {  	p0 =	sne.s32 s6, $0x1;
	_ =	swait.ge [sflag:s16], $0x8000  }
.Ltmp0:
0x22e: {  	[sflag:s16] =	ssyncset.done $0x0;
	(pc) =	sbr.rel @p0 .LBB2_1-.Ltmp0, $4  }
0x22f: {  	[sflag:s16] =	ssyncadd.s32 $0xFFFF8000  }
0x230: {  	_ =	swait.ge [sflag:s18], $0x8000  }
0x231: {  	[sflag:s18] =	ssyncset.done $0x0  }
0x232: {  	s6 =	sadd.s32 $0xFFFFFFFF, s6;
	[sflag:s18] =	ssyncadd.s32 $0xFFFF8000  }
0x233: {  	_ =	sfence.sel $0x180000  }
0x234: {  	[bflag:$0x0] =	sbarrier.arrive $0xFFFF  }
0x235: {  	_ =	strace $0x90000047  }
0x236: {  	s0 =	stileid.u32;
	[bflag:$0x2] =	sbarrier.arrive $0xFFFF  }
0x237: {  	p0 =	sne.s32 s0, $0x0;
	s0 =	rddreg [dreg:$0x3]  }
0x238: {  	s0 =	sadd.s32 @!p0 $0x100000, s0  }
0x239: {  	[sflag:s0] =	ssyncadd.tile.s32 @!p0 $0x1;
	_ =	shalt  }
.Lfunc_end2:
_tile_overlayer_lowered:
.L_overlay_start_2:
0x23a: {  	(tag) =	ssettag $0x2  }
0x23b: {  	s0 =	rddreg [dreg:$0x0];
	s2 =	stileid.u32  }
0x23c: {  	s1 =	rddreg [dreg:$0x1];
	p0 =	sne.s32 s2, $0x0  }
0x23d: {  	s3 =	rddreg [dreg:$0x2];
	[bflag:$0x3] =	sbarrier.arrive $0xFFFF;
	s2 =	simm.s32 @!p0 $0x1C07  }
0x23e: {  	[timem:s3], [sflag:s2] =	dma.local @!p0 [hbm:s0], s1  }
0x23f: {  	s0 =	simm.s32 @!p0 $0x7  }
0x240: {  	_ =	swait.ge @!p0 [sflag:s0], s1  }
0x241: {  	s1 =	ssub.s32 @!p0 $0x0, s1;
	[sflag:s0] =	ssyncset.done @!p0 $0x0  }
0x242: {  	[sflag:s0] =	ssyncadd.s32 @!p0 s1  }
0x243: {  	[bflag:$0x3] =	sbarrier.arrive $0xFFFF  }
0x244: {  	_ =	shalt  }

</sc_bundles>
